<compile_context>
chip_gen: v7x
topology: tpu7x:2x2x1
jax: 0.10.2.dev20260603
libtpu: 0.0.44.dev20260713+nightly
codegen_flags: <defaults>
</compile_context>

<pallas_src>
import functools

import jax
import jax.numpy as jnp
from jax import lax
from jax.experimental import pallas as pl
from jax.experimental.pallas import tpu as pltpu
from jax.experimental.pallas import tpu_sc as plsc

_VOCAB = 100
_H = 128
_N = 100000

_NC = 2
_NS = 16
_NW = _NC * _NS

_CHUNK = 128
_NBUF = 4
_NFULL = 24
_TAIL_A = 56
_TAIL_B = 48
_SPLIT = 20
_ROWS_A = _NFULL * _CHUNK + _TAIL_A
_ROWS_B = _NFULL * _CHUNK + _TAIL_B
assert _SPLIT * _ROWS_A + (_NW - _SPLIT) * _ROWS_B == _N


def _proj_body(emb_ref, w_ref, b_ref, out_ref):
    out_ref[:] = (
        lax.dot_general(
            emb_ref[:],
            w_ref[:],
            (((1,), (1,)), ((), ())),
            preferred_element_type=jnp.float32,
            precision=lax.Precision.HIGHEST,
        )
        + b_ref[:]
    )


def _project_table(embed_table, W, b):
    return pl.pallas_call(
        _proj_body,
        out_shape=jax.ShapeDtypeStruct((_VOCAB, _H), jnp.float32),
    )(embed_table, W, b.reshape(1, _H))


_mesh = plsc.VectorSubcoreMesh(core_axis_name="c", subcore_axis_name="s")


@functools.partial(
    pl.kernel,
    mesh=_mesh,
    out_type=jax.ShapeDtypeStruct((_N, _H), jnp.float32),
    scratch_types=[
        pltpu.VMEM_SHARED((_VOCAB, _H), jnp.float32),
        pltpu.VMEM((_ROWS_A,), jnp.int32),
        pltpu.VMEM((_NBUF, _CHUNK, _H), jnp.float32),
        pltpu.SemaphoreType.DMA,
        pltpu.SemaphoreType.DMA,
        pltpu.SemaphoreType.DMA,
        pltpu.SemaphoreType.DMA,
        pltpu.SemaphoreType.DMA,
        pltpu.SemaphoreType.DMA,
        pltpu.SemaphoreType.DMA,
        pltpu.SemaphoreType.DMA,
        pltpu.SemaphoreType.DMA,
    ],
)
def _gather_kernel(
    proj_hbm,
    idx_hbm,
    out_hbm,
    proj_v,
    idx_v,
    rows_v,
    psem,
    g0, g1, g2, g3,
    w0, w1, w2, w3,
):
    gsem = (g0, g1, g2, g3)
    wsem = (w0, w1, w2, w3)
    sid = lax.axis_index("s")
    wid = sid * _NC + lax.axis_index("c")

    @pl.when(sid == 0)
    def _():
        pltpu.async_copy(proj_hbm, proj_v, psem)

    def run_worker(base_row, nrows, tail_rows):
        pltpu.sync_copy(
            idx_hbm.at[pl.ds(base_row, nrows)], idx_v.at[pl.ds(0, nrows)]
        )

        @pl.when(sid == 0)
        def _():
            pltpu.make_async_copy(proj_hbm, proj_v, psem).wait()

        plsc.subcore_barrier()
        total = _NFULL + 1

        def gather_refs(c, j, rows):
            idx = idx_v.at[pl.ds(c * _CHUNK, rows)]
            dst = rows_v.at[j] if rows == _CHUNK else rows_v.at[j].at[pl.ds(0, rows)]
            return proj_v.at[idx], dst

        def start_gather(c, j, rows=_CHUNK):
            src, dst = gather_refs(c, j, rows)
            pltpu.async_copy(src, dst, gsem[j])

        def wait_gather(c, j, rows=_CHUNK):
            src, dst = gather_refs(c, j, rows)
            pltpu.make_async_copy(src, dst, gsem[j]).wait()

        def write_refs(c, j, rows):
            src = rows_v.at[j] if rows == _CHUNK else rows_v.at[j].at[pl.ds(0, rows)]
            dst = out_hbm.at[pl.ds(base_row + c * _CHUNK, rows)]
            return src, dst

        def start_write(c, j, rows=_CHUNK):
            src, dst = write_refs(c, j, rows)
            pltpu.async_copy(src, dst, wsem[j])

        def wait_write(c, j, rows=_CHUNK):
            src, dst = write_refs(c, j, rows)
            pltpu.make_async_copy(src, dst, wsem[j]).wait()

        for j in range(_NBUF - 1):
            start_gather(j, j)

        def group(g, carry):
            for j in range(_NBUF):
                c = g * _NBUF + j
                jn = (j + _NBUF - 1) % _NBUF
                wait_gather(c, j)
                start_write(c, j)
                n = c + _NBUF - 1

                @pl.when(n < _NFULL)
                def _():
                    @pl.when(c > 0)
                    def _():
                        wait_write(c - 1, jn)

                    start_gather(n, jn)

            return carry

        ngroups = _NFULL // _NBUF
        lax.fori_loop(0, ngroups, group, 0)

        c = total - 1
        j = c % _NBUF
        wait_write(c - _NBUF, j)
        start_gather(c, j, tail_rows)
        wait_gather(c, j, tail_rows)
        start_write(c, j, tail_rows)

        for cc in range(total - _NBUF, total):
            rows = tail_rows if cc == total - 1 else _CHUNK
            wait_write(cc, cc % _NBUF, rows)

    @pl.when(wid < _SPLIT)
    def _():
        run_worker(wid * _ROWS_A, _ROWS_A, _TAIL_A)

    @pl.when(wid >= _SPLIT)
    def _():
        run_worker(
            _SPLIT * _ROWS_A + (wid - _SPLIT) * _ROWS_B, _ROWS_B, _TAIL_B
        )


def kernel(atom_types, embed_table, W, b):
    proj = _project_table(embed_table, W, b)
    return _gather_kernel(proj, atom_types.astype(jnp.int32))

# --- scband reference (transcript-rebuilt; emitter-appended) ---
"""Pipeline reference for scband-atom-encoder-80393197846858 (READ-ONLY COPY).

The authoritative reference and input builder live on the scoring server;
editing this copy changes nothing except your own understanding.
"""

import jax, jax.numpy as jnp
import numpy as np

N_ATOMS = 100000
VOCAB = 100
HIDDEN = 128

def setup_inputs(seed: int = 0) -> dict:
    key = jax.random.key(seed)
    k1, k2, k3, k4 = jax.random.split(key, 4)
    atom_types = jax.random.randint(k1, (N_ATOMS,), 0, VOCAB, dtype=jnp.int64 if jax.config.jax_enable_x64 else jnp.int32).astype(jnp.int32)
    embed_table = jax.random.normal(k2, (VOCAB, HIDDEN), dtype=jnp.float32)
    # nn.Linear default init: U(-1/sqrt(fan_in), 1/sqrt(fan_in))
    bound = 1.0 / np.sqrt(HIDDEN)
    W = jax.random.uniform(k3, (HIDDEN, HIDDEN), dtype=jnp.float32, minval=-bound, maxval=bound)
    b = jax.random.uniform(k4, (HIDDEN,), dtype=jnp.float32, minval=-bound, maxval=bound)
    return {"atom_types": atom_types, "embed_table": embed_table, "W": W, "b": b}

def reference(atom_types, embed_table, W, b):
    # embedding lookup (gather)
    x = jnp.take(embed_table, atom_types, axis=0)  # [N, H]
    # linear: x @ W^T + b (torch Linear stores weight as [out, in])
    return x @ W.T + b

if __name__ == "__main__":
    import jax
    _d = setup_inputs()
    print(jax.jit(kernel)(*tuple(_d.values())))

</pallas_src>

<mosaic_0001>
#map = affine_map<(d0, d1) -> (0, 0)>
#map1 = affine_map<(d0, d1) -> (0)>
module attributes {stable_mosaic.version = 14 : i64} {
  func.func @_gather_kernel(%arg0: i32, %arg1: i32, %arg2: memref<100x128xf32, #tpu.memory_space<hbm>>, %arg3: memref<100000xi32, #tpu.memory_space<hbm>>, %arg4: memref<100000x128xf32, #tpu.memory_space<hbm>>, %arg5: memref<100x128xf32, #tpu.memory_space<vmem_shared>>, %arg6: memref<3128xi32, #tpu.memory_space<vmem>>, %arg7: memref<4x128x128xf32, #tpu.memory_space<vmem>>, %arg8: memref<!tpu.dma_semaphore, #tpu.memory_space<semaphore_mem>>, %arg9: memref<!tpu.dma_semaphore, #tpu.memory_space<semaphore_mem>>, %arg10: memref<!tpu.dma_semaphore, #tpu.memory_space<semaphore_mem>>, %arg11: memref<!tpu.dma_semaphore, #tpu.memory_space<semaphore_mem>>, %arg12: memref<!tpu.dma_semaphore, #tpu.memory_space<semaphore_mem>>, %arg13: memref<!tpu.dma_semaphore, #tpu.memory_space<semaphore_mem>>, %arg14: memref<!tpu.dma_semaphore, #tpu.memory_space<semaphore_mem>>, %arg15: memref<!tpu.dma_semaphore, #tpu.memory_space<semaphore_mem>>, %arg16: memref<!tpu.dma_semaphore, #tpu.memory_space<semaphore_mem>>) attributes {dimension_semantics = [#tpu.dimension_semantics<core_parallel>, #tpu.dimension_semantics<subcore_parallel>], iteration_bounds = array<i64: 2, 16>, scalar_prefetch = 0 : i64, scratch_operands = 12 : i64, tpu.core_type = #tpu.core_type<sc_vector_subcore>, window_params = [{transform_indices = #map}, {transform_indices = #map1}, {transform_indices = #map}]} {
    %mul3A = arith.constant 2 : i32
    %mul3A_0 = arith.muli %arg1, %mul3A : i32
    %add3A = arith.addi %mul3A_0, %arg0 : i32
    %eq3A = arith.constant 0 : i32
    %eq3A_1 = arith.cmpi eq, %arg1, %eq3A : i32
    %convert_element_type3A = arith.extui %eq3A_1 : i1 to i32
    %cond3A = arith.constant 0 : i32
    %cond3A_2 = arith.cmpi ne, %convert_element_type3A, %cond3A : i32
    scf.if %cond3A_2 {
      tpu.enqueue_dma source(%arg2 : memref<100x128xf32, #tpu.memory_space<hbm>>) target(%arg5 : memref<100x128xf32, #tpu.memory_space<vmem_shared>>) target_semaphore(%arg8 : memref<!tpu.dma_semaphore, #tpu.memory_space<semaphore_mem>>)
    } else {
    }
    %lt3A = arith.constant 20 : i32
    %lt3A_3 = arith.cmpi slt, %add3A, %lt3A : i32
    %convert_element_type3A_4 = arith.extui %lt3A_3 : i1 to i32
    %cond3A_5 = arith.constant 0 : i32
    %cond3A_6 = arith.cmpi ne, %convert_element_type3A_4, %cond3A_5 : i32
    scf.if %cond3A_6 {
      %mul3A_11 = arith.constant 3128 : i32
      %mul3A_12 = arith.muli %add3A, %mul3A_11 : i32
      "tpu.region"() ({
        %run_scoped3A = tpu.sem_alloc : memref<!tpu.dma_semaphore, #tpu.memory_space<semaphore_mem>>
        %dma_start3A_179 = arith.constant 0 : i32
        %dma_start3A_180 = tpu.memref_slice %arg6[%dma_start3A_179] : memref<3128xi32, #tpu.memory_space<vmem>> -> memref<3128xi32, #tpu.memory_space<vmem>>
        %dma_start3A_181 = tpu.memref_slice %arg3[%mul3A_12] : memref<100000xi32, #tpu.memory_space<hbm>> -> memref<3128xi32, #tpu.memory_space<hbm>>
        %dma_start3A_182 = arith.constant 0 : i32
        %dma_start3A_183 = tpu.memref_slice %arg6[%dma_start3A_182] : memref<3128xi32, #tpu.memory_space<vmem>> -> memref<3128xi32, #tpu.memory_space<vmem>>
        %dma_start3A_184 = tpu.memref_slice %arg3[%mul3A_12] : memref<100000xi32, #tpu.memory_space<hbm>> -> memref<3128xi32, #tpu.memory_space<hbm>>
        tpu.enqueue_dma source(%dma_start3A_184 : memref<3128xi32, #tpu.memory_space<hbm>>) target(%dma_start3A_183 : memref<3128xi32, #tpu.memory_space<vmem>>) target_semaphore(%run_scoped3A : memref<!tpu.dma_semaphore, #tpu.memory_space<semaphore_mem>>)
        %dma_wait3A_185 = arith.constant 0 : i32
        %dma_wait3A_186 = tpu.memref_slice %arg6[%dma_wait3A_185] : memref<3128xi32, #tpu.memory_space<vmem>> -> memref<3128xi32, #tpu.memory_space<vmem>>
        %dma_wait3A_187 = tpu.memref_slice %arg3[%mul3A_12] : memref<100000xi32, #tpu.memory_space<hbm>> -> memref<3128xi32, #tpu.memory_space<hbm>>
        %dma_wait3A_188 = arith.constant 0 : i32
        %dma_wait3A_189 = tpu.memref_slice %arg6[%dma_wait3A_188] : memref<3128xi32, #tpu.memory_space<vmem>> -> memref<3128xi32, #tpu.memory_space<vmem>>
        %dma_wait3A_190 = tpu.memref_slice %arg3[%mul3A_12] : memref<100000xi32, #tpu.memory_space<hbm>> -> memref<3128xi32, #tpu.memory_space<hbm>>
        tpu.wait_dma2 semaphore(%run_scoped3A : memref<!tpu.dma_semaphore, #tpu.memory_space<semaphore_mem>>) src(%dma_wait3A_190 : memref<3128xi32, #tpu.memory_space<hbm>>) dst(%dma_wait3A_189 : memref<3128xi32, #tpu.memory_space<vmem>>)
        tpu.yield
      }) : () -> ()
      %eq3A_13 = arith.constant 0 : i32
      %eq3A_14 = arith.cmpi eq, %arg1, %eq3A_13 : i32
      %convert_element_type3A_15 = arith.extui %eq3A_14 : i1 to i32
      %cond3A_16 = arith.constant 0 : i32
      %cond3A_17 = arith.cmpi ne, %convert_element_type3A_15, %cond3A_16 : i32
      scf.if %cond3A_17 {
        tpu.wait_dma2 semaphore(%arg8 : memref<!tpu.dma_semaphore, #tpu.memory_space<semaphore_mem>>) src(%arg2 : memref<100x128xf32, #tpu.memory_space<hbm>>) dst(%arg5 : memref<100x128xf32, #tpu.memory_space<vmem_shared>>)
      } else {
      }
      %barrier3A = arith.constant 0 : index
      tpu.barrier barrier_id(%barrier3A)
      %dma_start3A = arith.constant 0 : i32
      %dma_start3A_18 = arith.constant 0 : i32
      %dma_start3A_19 = arith.constant 0 : i32
      %dma_start3A_20 = tpu.memref_slice %arg7[%dma_start3A, %dma_start3A_18, %dma_start3A_19] : memref<4x128x128xf32, #tpu.memory_space<vmem>> -> memref<1x128x128xf32, #tpu.memory_space<vmem>>
      %dma_start3A_21 = tpu.memref_squeeze %dma_start3A_20 : memref<1x128x128xf32, #tpu.memory_space<vmem>> -> memref<128x128xf32, #tpu.memory_space<vmem>>
      %dma_start3A_22 = arith.constant 0 : i32
      %dma_start3A_23 = tpu.memref_slice %arg6[%dma_start3A_22] : memref<3128xi32, #tpu.memory_space<vmem>> -> memref<128xi32, #tpu.memory_space<vmem>>
      %dma_start3A_24 = arith.constant 0 : i32
      %dma_start3A_25 = arith.constant 0 : i32
      %dma_start3A_26 = tpu.memref_slice %arg5[%dma_start3A_24, %dma_start3A_25] : memref<100x128xf32, #tpu.memory_space<vmem_shared>> -> memref<100x128xf32, #tpu.memory_space<vmem_shared>>
      tpu.enqueue_indirect_dma source(%dma_start3A_26 : memref<100x128xf32, #tpu.memory_space<vmem_shared>>) target(%dma_start3A_21 : memref<128x128xf32, #tpu.memory_space<vmem>>) offsets(%dma_start3A_23 : memref<128xi32, #tpu.memory_space<vmem>>) semaphore(%arg9 : memref<!tpu.dma_semaphore, #tpu.memory_space<semaphore_mem>>)
      %dma_start3A_27 = arith.constant 1 : i32
      %dma_start3A_28 = arith.constant 0 : i32
      %dma_start3A_29 = arith.constant 0 : i32
      %dma_start3A_30 = tpu.memref_slice %arg7[%dma_start3A_27, %dma_start3A_28, %dma_start3A_29] : memref<4x128x128xf32, #tpu.memory_space<vmem>> -> memref<1x128x128xf32, #tpu.memory_space<vmem>>
      %dma_start3A_31 = tpu.memref_squeeze %dma_start3A_30 : memref<1x128x128xf32, #tpu.memory_space<vmem>> -> memref<128x128xf32, #tpu.memory_space<vmem>>
      %dma_start3A_32 = arith.constant 128 : i32
      %dma_start3A_33 = tpu.memref_slice %arg6[%dma_start3A_32] : memref<3128xi32, #tpu.memory_space<vmem>> -> memref<128xi32, #tpu.memory_space<vmem>>
      %dma_start3A_34 = arith.constant 0 : i32
      %dma_start3A_35 = arith.constant 0 : i32
      %dma_start3A_36 = tpu.memref_slice %arg5[%dma_start3A_34, %dma_start3A_35] : memref<100x128xf32, #tpu.memory_space<vmem_shared>> -> memref<100x128xf32, #tpu.memory_space<vmem_shared>>
      tpu.enqueue_indirect_dma source(%dma_start3A_36 : memref<100x128xf32, #tpu.memory_space<vmem_shared>>) target(%dma_start3A_31 : memref<128x128xf32, #tpu.memory_space<vmem>>) offsets(%dma_start3A_33 : memref<128xi32, #tpu.memory_space<vmem>>) semaphore(%arg10 : memref<!tpu.dma_semaphore, #tpu.memory_space<semaphore_mem>>)
      %dma_start3A_37 = arith.constant 2 : i32
      %dma_start3A_38 = arith.constant 0 : i32
      %dma_start3A_39 = arith.constant 0 : i32
      %dma_start3A_40 = tpu.memref_slice %arg7[%dma_start3A_37, %dma_start3A_38, %dma_start3A_39] : memref<4x128x128xf32, #tpu.memory_space<vmem>> -> memref<1x128x128xf32, #tpu.memory_space<vmem>>
      %dma_start3A_41 = tpu.memref_squeeze %dma_start3A_40 : memref<1x128x128xf32, #tpu.memory_space<vmem>> -> memref<128x128xf32, #tpu.memory_space<vmem>>
      %dma_start3A_42 = arith.constant 256 : i32
      %dma_start3A_43 = tpu.memref_slice %arg6[%dma_start3A_42] : memref<3128xi32, #tpu.memory_space<vmem>> -> memref<128xi32, #tpu.memory_space<vmem>>
      %dma_start3A_44 = arith.constant 0 : i32
      %dma_start3A_45 = arith.constant 0 : i32
      %dma_start3A_46 = tpu.memref_slice %arg5[%dma_start3A_44, %dma_start3A_45] : memref<100x128xf32, #tpu.memory_space<vmem_shared>> -> memref<100x128xf32, #tpu.memory_space<vmem_shared>>
      tpu.enqueue_indirect_dma source(%dma_start3A_46 : memref<100x128xf32, #tpu.memory_space<vmem_shared>>) target(%dma_start3A_41 : memref<128x128xf32, #tpu.memory_space<vmem>>) offsets(%dma_start3A_43 : memref<128xi32, #tpu.memory_space<vmem>>) semaphore(%arg11 : memref<!tpu.dma_semaphore, #tpu.memory_space<semaphore_mem>>)
      %scan3A = arith.constant 0 : i32
      %scan3A_47 = arith.constant 0 : i32
      %scan3A_48 = arith.constant 6 : i32
      %scan3A_49 = arith.addi %scan3A_47, %scan3A_48 : i32
      %scan3A_50 = arith.constant 1 : i32
      scf.for %scan3A_179 = %scan3A_47 to %scan3A_49 step %scan3A_50  : i32 {
        %mul3A_180 = arith.constant 4 : i32
        %mul3A_181 = arith.muli %scan3A_179, %mul3A_180 : i32
        %add3A_182 = arith.constant 0 : i32
        %add3A_183 = arith.addi %mul3A_181, %add3A_182 : i32
        %mul3A_184 = arith.constant 128 : i32
        %mul3A_185 = arith.muli %add3A_183, %mul3A_184 : i32
        %dma_wait3A_186 = arith.constant 0 : i32
        %dma_wait3A_187 = arith.constant 0 : i32
        %dma_wait3A_188 = arith.constant 0 : i32
        %dma_wait3A_189 = tpu.memref_slice %arg7[%dma_wait3A_186, %dma_wait3A_187, %dma_wait3A_188] : memref<4x128x128xf32, #tpu.memory_space<vmem>> -> memref<1x128x128xf32, #tpu.memory_space<vmem>>
        %dma_wait3A_190 = tpu.memref_squeeze %dma_wait3A_189 : memref<1x128x128xf32, #tpu.memory_space<vmem>> -> memref<128x128xf32, #tpu.memory_space<vmem>>
        %dma_wait3A_191 = tpu.memref_slice %arg6[%mul3A_185] : memref<3128xi32, #tpu.memory_space<vmem>> -> memref<128xi32, #tpu.memory_space<vmem>>
        %dma_wait3A_192 = arith.constant 0 : i32
        %dma_wait3A_193 = arith.constant 0 : i32
        %dma_wait3A_194 = tpu.memref_slice %arg5[%dma_wait3A_192, %dma_wait3A_193] : memref<100x128xf32, #tpu.memory_space<vmem_shared>> -> memref<100x128xf32, #tpu.memory_space<vmem_shared>>
        tpu.wait_indirect_dma semaphore(%arg9 : memref<!tpu.dma_semaphore, #tpu.memory_space<semaphore_mem>>) src(%dma_wait3A_194 : memref<100x128xf32, #tpu.memory_space<vmem_shared>>) dst(%dma_wait3A_190 : memref<128x128xf32, #tpu.memory_space<vmem>>)
        %mul3A_195 = arith.constant 128 : i32
        %mul3A_196 = arith.muli %add3A_183, %mul3A_195 : i32
        %add3A_197 = arith.addi %mul3A_12, %mul3A_196 : i32
        %dma_start3A_198 = arith.constant 0 : i32
        %dma_start3A_199 = arith.constant 0 : i32
        %dma_start3A_200 = arith.constant 0 : i32
        %dma_start3A_201 = tpu.memref_slice %arg7[%dma_start3A_198, %dma_start3A_199, %dma_start3A_200] : memref<4x128x128xf32, #tpu.memory_space<vmem>> -> memref<1x128x128xf32, #tpu.memory_space<vmem>>
        %dma_start3A_202 = tpu.memref_squeeze %dma_start3A_201 : memref<1x128x128xf32, #tpu.memory_space<vmem>> -> memref<128x128xf32, #tpu.memory_space<vmem>>
        %dma_start3A_203 = arith.constant 0 : i32
        %dma_start3A_204 = tpu.memref_slice %arg4[%add3A_197, %dma_start3A_203] : memref<100000x128xf32, #tpu.memory_space<hbm>> -> memref<128x128xf32, #tpu.memory_space<hbm>>
        %dma_start3A_205 = arith.constant 0 : i32
        %dma_start3A_206 = tpu.memref_slice %arg4[%add3A_197, %dma_start3A_205] : memref<100000x128xf32, #tpu.memory_space<hbm>> -> memref<128x128xf32, #tpu.memory_space<hbm>>
        %dma_start3A_207 = arith.constant 0 : i32
        %dma_start3A_208 = arith.constant 0 : i32
        %dma_start3A_209 = tpu.memref_slice %arg7[%dma_start3A_198, %dma_start3A_207, %dma_start3A_208] : memref<4x128x128xf32, #tpu.memory_space<vmem>> -> memref<1x128x128xf32, #tpu.memory_space<vmem>>
        %dma_start3A_210 = tpu.memref_squeeze %dma_start3A_209 : memref<1x128x128xf32, #tpu.memory_space<vmem>> -> memref<128x128xf32, #tpu.memory_space<vmem>>
        tpu.enqueue_dma source(%dma_start3A_210 : memref<128x128xf32, #tpu.memory_space<vmem>>) target(%dma_start3A_206 : memref<128x128xf32, #tpu.memory_space<hbm>>) target_semaphore(%arg13 : memref<!tpu.dma_semaphore, #tpu.memory_space<semaphore_mem>>)
        %add3A_211 = arith.constant 4 : i32
        %add3A_212 = arith.addi %add3A_183, %add3A_211 : i32
        %sub3A = arith.constant 1 : i32
        %sub3A_213 = arith.subi %add3A_212, %sub3A : i32
        %lt3A_214 = arith.constant 24 : i32
        %lt3A_215 = arith.cmpi slt, %sub3A_213, %lt3A_214 : i32
        %convert_element_type3A_216 = arith.extui %lt3A_215 : i1 to i32
        %cond3A_217 = arith.constant 0 : i32
        %cond3A_218 = arith.cmpi ne, %convert_element_type3A_216, %cond3A_217 : i32
        scf.if %cond3A_218 {
          %gt3A = arith.constant 0 : i32
          %gt3A_339 = arith.cmpi sgt, %add3A_183, %gt3A : i32
          %convert_element_type3A_340 = arith.extui %gt3A_339 : i1 to i32
          %cond3A_341 = arith.constant 0 : i32
          %cond3A_342 = arith.cmpi ne, %convert_element_type3A_340, %cond3A_341 : i32
          scf.if %cond3A_342 {
            %sub3A_354 = arith.constant 1 : i32
            %sub3A_355 = arith.subi %add3A_183, %sub3A_354 : i32
            %mul3A_356 = arith.constant 128 : i32
            %mul3A_357 = arith.muli %sub3A_355, %mul3A_356 : i32
            %add3A_358 = arith.addi %mul3A_12, %mul3A_357 : i32
            %dma_wait3A_359 = arith.constant 3 : i32
            %dma_wait3A_360 = arith.constant 0 : i32
            %dma_wait3A_361 = arith.constant 0 : i32
            %dma_wait3A_362 = tpu.memref_slice %arg7[%dma_wait3A_359, %dma_wait3A_360, %dma_wait3A_361] : memref<4x128x128xf32, #tpu.memory_space<vmem>> -> memref<1x128x128xf32, #tpu.memory_space<vmem>>
            %dma_wait3A_363 = tpu.memref_squeeze %dma_wait3A_362 : memref<1x128x128xf32, #tpu.memory_space<vmem>> -> memref<128x128xf32, #tpu.memory_space<vmem>>
            %dma_wait3A_364 = arith.constant 0 : i32
            %dma_wait3A_365 = tpu.memref_slice %arg4[%add3A_358, %dma_wait3A_364] : memref<100000x128xf32, #tpu.memory_space<hbm>> -> memref<128x128xf32, #tpu.memory_space<hbm>>
            %dma_wait3A_366 = arith.constant 0 : i32
            %dma_wait3A_367 = tpu.memref_slice %arg4[%add3A_358, %dma_wait3A_366] : memref<100000x128xf32, #tpu.memory_space<hbm>> -> memref<128x128xf32, #tpu.memory_space<hbm>>
            %dma_wait3A_368 = arith.constant 0 : i32
            %dma_wait3A_369 = arith.constant 0 : i32
            %dma_wait3A_370 = tpu.memref_slice %arg7[%dma_wait3A_359, %dma_wait3A_368, %dma_wait3A_369] : memref<4x128x128xf32, #tpu.memory_space<vmem>> -> memref<1x128x128xf32, #tpu.memory_space<vmem>>
            %dma_wait3A_371 = tpu.memref_squeeze %dma_wait3A_370 : memref<1x128x128xf32, #tpu.memory_space<vmem>> -> memref<128x128xf32, #tpu.memory_space<vmem>>
            tpu.wait_dma2 semaphore(%arg16 : memref<!tpu.dma_semaphore, #tpu.memory_space<semaphore_mem>>) src(%dma_wait3A_371 : memref<128x128xf32, #tpu.memory_space<vmem>>) dst(%dma_wait3A_367 : memref<128x128xf32, #tpu.memory_space<hbm>>)
          } else {
          }
          %mul3A_343 = arith.constant 128 : i32
          %mul3A_344 = arith.muli %sub3A_213, %mul3A_343 : i32
          %dma_start3A_345 = arith.constant 3 : i32
          %dma_start3A_346 = arith.constant 0 : i32
          %dma_start3A_347 = arith.constant 0 : i32
          %dma_start3A_348 = tpu.memref_slice %arg7[%dma_start3A_345, %dma_start3A_346, %dma_start3A_347] : memref<4x128x128xf32, #tpu.memory_space<vmem>> -> memref<1x128x128xf32, #tpu.memory_space<vmem>>
          %dma_start3A_349 = tpu.memref_squeeze %dma_start3A_348 : memref<1x128x128xf32, #tpu.memory_space<vmem>> -> memref<128x128xf32, #tpu.memory_space<vmem>>
          %dma_start3A_350 = tpu.memref_slice %arg6[%mul3A_344] : memref<3128xi32, #tpu.memory_space<vmem>> -> memref<128xi32, #tpu.memory_space<vmem>>
          %dma_start3A_351 = arith.constant 0 : i32
          %dma_start3A_352 = arith.constant 0 : i32
          %dma_start3A_353 = tpu.memref_slice %arg5[%dma_start3A_351, %dma_start3A_352] : memref<100x128xf32, #tpu.memory_space<vmem_shared>> -> memref<100x128xf32, #tpu.memory_space<vmem_shared>>
          tpu.enqueue_indirect_dma source(%dma_start3A_353 : memref<100x128xf32, #tpu.memory_space<vmem_shared>>) target(%dma_start3A_349 : memref<128x128xf32, #tpu.memory_space<vmem>>) offsets(%dma_start3A_350 : memref<128xi32, #tpu.memory_space<vmem>>) semaphore(%arg12 : memref<!tpu.dma_semaphore, #tpu.memory_space<semaphore_mem>>)
        } else {
        }
        %mul3A_219 = arith.constant 4 : i32
        %mul3A_220 = arith.muli %scan3A_179, %mul3A_219 : i32
        %add3A_221 = arith.constant 1 : i32
        %add3A_222 = arith.addi %mul3A_220, %add3A_221 : i32
        %mul3A_223 = arith.constant 128 : i32
        %mul3A_224 = arith.muli %add3A_222, %mul3A_223 : i32
        %dma_wait3A_225 = arith.constant 1 : i32
        %dma_wait3A_226 = arith.constant 0 : i32
        %dma_wait3A_227 = arith.constant 0 : i32
        %dma_wait3A_228 = tpu.memref_slice %arg7[%dma_wait3A_225, %dma_wait3A_226, %dma_wait3A_227] : memref<4x128x128xf32, #tpu.memory_space<vmem>> -> memref<1x128x128xf32, #tpu.memory_space<vmem>>
        %dma_wait3A_229 = tpu.memref_squeeze %dma_wait3A_228 : memref<1x128x128xf32, #tpu.memory_space<vmem>> -> memref<128x128xf32, #tpu.memory_space<vmem>>
        %dma_wait3A_230 = tpu.memref_slice %arg6[%mul3A_224] : memref<3128xi32, #tpu.memory_space<vmem>> -> memref<128xi32, #tpu.memory_space<vmem>>
        %dma_wait3A_231 = arith.constant 0 : i32
        %dma_wait3A_232 = arith.constant 0 : i32
        %dma_wait3A_233 = tpu.memref_slice %arg5[%dma_wait3A_231, %dma_wait3A_232] : memref<100x128xf32, #tpu.memory_space<vmem_shared>> -> memref<100x128xf32, #tpu.memory_space<vmem_shared>>
        tpu.wait_indirect_dma semaphore(%arg10 : memref<!tpu.dma_semaphore, #tpu.memory_space<semaphore_mem>>) src(%dma_wait3A_233 : memref<100x128xf32, #tpu.memory_space<vmem_shared>>) dst(%dma_wait3A_229 : memref<128x128xf32, #tpu.memory_space<vmem>>)
        %mul3A_234 = arith.constant 128 : i32
        %mul3A_235 = arith.muli %add3A_222, %mul3A_234 : i32
        %add3A_236 = arith.addi %mul3A_12, %mul3A_235 : i32
        %dma_start3A_237 = arith.constant 1 : i32
        %dma_start3A_238 = arith.constant 0 : i32
        %dma_start3A_239 = arith.constant 0 : i32
        %dma_start3A_240 = tpu.memref_slice %arg7[%dma_start3A_237, %dma_start3A_238, %dma_start3A_239] : memref<4x128x128xf32, #tpu.memory_space<vmem>> -> memref<1x128x128xf32, #tpu.memory_space<vmem>>
        %dma_start3A_241 = tpu.memref_squeeze %dma_start3A_240 : memref<1x128x128xf32, #tpu.memory_space<vmem>> -> memref<128x128xf32, #tpu.memory_space<vmem>>
        %dma_start3A_242 = arith.constant 0 : i32
        %dma_start3A_243 = tpu.memref_slice %arg4[%add3A_236, %dma_start3A_242] : memref<100000x128xf32, #tpu.memory_space<hbm>> -> memref<128x128xf32, #tpu.memory_space<hbm>>
        %dma_start3A_244 = arith.constant 0 : i32
        %dma_start3A_245 = tpu.memref_slice %arg4[%add3A_236, %dma_start3A_244] : memref<100000x128xf32, #tpu.memory_space<hbm>> -> memref<128x128xf32, #tpu.memory_space<hbm>>
        %dma_start3A_246 = arith.constant 0 : i32
        %dma_start3A_247 = arith.constant 0 : i32
        %dma_start3A_248 = tpu.memref_slice %arg7[%dma_start3A_237, %dma_start3A_246, %dma_start3A_247] : memref<4x128x128xf32, #tpu.memory_space<vmem>> -> memref<1x128x128xf32, #tpu.memory_space<vmem>>
        %dma_start3A_249 = tpu.memref_squeeze %dma_start3A_248 : memref<1x128x128xf32, #tpu.memory_space<vmem>> -> memref<128x128xf32, #tpu.memory_space<vmem>>
        tpu.enqueue_dma source(%dma_start3A_249 : memref<128x128xf32, #tpu.memory_space<vmem>>) target(%dma_start3A_245 : memref<128x128xf32, #tpu.memory_space<hbm>>) target_semaphore(%arg14 : memref<!tpu.dma_semaphore, #tpu.memory_space<semaphore_mem>>)
        %add3A_250 = arith.constant 4 : i32
        %add3A_251 = arith.addi %add3A_222, %add3A_250 : i32
        %sub3A_252 = arith.constant 1 : i32
        %sub3A_253 = arith.subi %add3A_251, %sub3A_252 : i32
        %lt3A_254 = arith.constant 24 : i32
        %lt3A_255 = arith.cmpi slt, %sub3A_253, %lt3A_254 : i32
        %convert_element_type3A_256 = arith.extui %lt3A_255 : i1 to i32
        %cond3A_257 = arith.constant 0 : i32
        %cond3A_258 = arith.cmpi ne, %convert_element_type3A_256, %cond3A_257 : i32
        scf.if %cond3A_258 {
          %gt3A = arith.constant 0 : i32
          %gt3A_339 = arith.cmpi sgt, %add3A_222, %gt3A : i32
          %convert_element_type3A_340 = arith.extui %gt3A_339 : i1 to i32
          %cond3A_341 = arith.constant 0 : i32
          %cond3A_342 = arith.cmpi ne, %convert_element_type3A_340, %cond3A_341 : i32
          scf.if %cond3A_342 {
            %sub3A_354 = arith.constant 1 : i32
            %sub3A_355 = arith.subi %add3A_222, %sub3A_354 : i32
            %mul3A_356 = arith.constant 128 : i32
            %mul3A_357 = arith.muli %sub3A_355, %mul3A_356 : i32
            %add3A_358 = arith.addi %mul3A_12, %mul3A_357 : i32
            %dma_wait3A_359 = arith.constant 0 : i32
            %dma_wait3A_360 = arith.constant 0 : i32
            %dma_wait3A_361 = arith.constant 0 : i32
            %dma_wait3A_362 = tpu.memref_slice %arg7[%dma_wait3A_359, %dma_wait3A_360, %dma_wait3A_361] : memref<4x128x128xf32, #tpu.memory_space<vmem>> -> memref<1x128x128xf32, #tpu.memory_space<vmem>>
            %dma_wait3A_363 = tpu.memref_squeeze %dma_wait3A_362 : memref<1x128x128xf32, #tpu.memory_space<vmem>> -> memref<128x128xf32, #tpu.memory_space<vmem>>
            %dma_wait3A_364 = arith.constant 0 : i32
            %dma_wait3A_365 = tpu.memref_slice %arg4[%add3A_358, %dma_wait3A_364] : memref<100000x128xf32, #tpu.memory_space<hbm>> -> memref<128x128xf32, #tpu.memory_space<hbm>>
            %dma_wait3A_366 = arith.constant 0 : i32
            %dma_wait3A_367 = tpu.memref_slice %arg4[%add3A_358, %dma_wait3A_366] : memref<100000x128xf32, #tpu.memory_space<hbm>> -> memref<128x128xf32, #tpu.memory_space<hbm>>
            %dma_wait3A_368 = arith.constant 0 : i32
            %dma_wait3A_369 = arith.constant 0 : i32
            %dma_wait3A_370 = tpu.memref_slice %arg7[%dma_wait3A_359, %dma_wait3A_368, %dma_wait3A_369] : memref<4x128x128xf32, #tpu.memory_space<vmem>> -> memref<1x128x128xf32, #tpu.memory_space<vmem>>
            %dma_wait3A_371 = tpu.memref_squeeze %dma_wait3A_370 : memref<1x128x128xf32, #tpu.memory_space<vmem>> -> memref<128x128xf32, #tpu.memory_space<vmem>>
            tpu.wait_dma2 semaphore(%arg13 : memref<!tpu.dma_semaphore, #tpu.memory_space<semaphore_mem>>) src(%dma_wait3A_371 : memref<128x128xf32, #tpu.memory_space<vmem>>) dst(%dma_wait3A_367 : memref<128x128xf32, #tpu.memory_space<hbm>>)
          } else {
          }
          %mul3A_343 = arith.constant 128 : i32
          %mul3A_344 = arith.muli %sub3A_253, %mul3A_343 : i32
          %dma_start3A_345 = arith.constant 0 : i32
          %dma_start3A_346 = arith.constant 0 : i32
          %dma_start3A_347 = arith.constant 0 : i32
          %dma_start3A_348 = tpu.memref_slice %arg7[%dma_start3A_345, %dma_start3A_346, %dma_start3A_347] : memref<4x128x128xf32, #tpu.memory_space<vmem>> -> memref<1x128x128xf32, #tpu.memory_space<vmem>>
          %dma_start3A_349 = tpu.memref_squeeze %dma_start3A_348 : memref<1x128x128xf32, #tpu.memory_space<vmem>> -> memref<128x128xf32, #tpu.memory_space<vmem>>
          %dma_start3A_350 = tpu.memref_slice %arg6[%mul3A_344] : memref<3128xi32, #tpu.memory_space<vmem>> -> memref<128xi32, #tpu.memory_space<vmem>>
          %dma_start3A_351 = arith.constant 0 : i32
          %dma_start3A_352 = arith.constant 0 : i32
          %dma_start3A_353 = tpu.memref_slice %arg5[%dma_start3A_351, %dma_start3A_352] : memref<100x128xf32, #tpu.memory_space<vmem_shared>> -> memref<100x128xf32, #tpu.memory_space<vmem_shared>>
          tpu.enqueue_indirect_dma source(%dma_start3A_353 : memref<100x128xf32, #tpu.memory_space<vmem_shared>>) target(%dma_start3A_349 : memref<128x128xf32, #tpu.memory_space<vmem>>) offsets(%dma_start3A_350 : memref<128xi32, #tpu.memory_space<vmem>>) semaphore(%arg9 : memref<!tpu.dma_semaphore, #tpu.memory_space<semaphore_mem>>)
        } else {
        }
        %mul3A_259 = arith.constant 4 : i32
        %mul3A_260 = arith.muli %scan3A_179, %mul3A_259 : i32
        %add3A_261 = arith.constant 2 : i32
        %add3A_262 = arith.addi %mul3A_260, %add3A_261 : i32
        %mul3A_263 = arith.constant 128 : i32
        %mul3A_264 = arith.muli %add3A_262, %mul3A_263 : i32
        %dma_wait3A_265 = arith.constant 2 : i32
        %dma_wait3A_266 = arith.constant 0 : i32
        %dma_wait3A_267 = arith.constant 0 : i32
        %dma_wait3A_268 = tpu.memref_slice %arg7[%dma_wait3A_265, %dma_wait3A_266, %dma_wait3A_267] : memref<4x128x128xf32, #tpu.memory_space<vmem>> -> memref<1x128x128xf32, #tpu.memory_space<vmem>>
        %dma_wait3A_269 = tpu.memref_squeeze %dma_wait3A_268 : memref<1x128x128xf32, #tpu.memory_space<vmem>> -> memref<128x128xf32, #tpu.memory_space<vmem>>
        %dma_wait3A_270 = tpu.memref_slice %arg6[%mul3A_264] : memref<3128xi32, #tpu.memory_space<vmem>> -> memref<128xi32, #tpu.memory_space<vmem>>
        %dma_wait3A_271 = arith.constant 0 : i32
        %dma_wait3A_272 = arith.constant 0 : i32
        %dma_wait3A_273 = tpu.memref_slice %arg5[%dma_wait3A_271, %dma_wait3A_272] : memref<100x128xf32, #tpu.memory_space<vmem_shared>> -> memref<100x128xf32, #tpu.memory_space<vmem_shared>>
        tpu.wait_indirect_dma semaphore(%arg11 : memref<!tpu.dma_semaphore, #tpu.memory_space<semaphore_mem>>) src(%dma_wait3A_273 : memref<100x128xf32, #tpu.memory_space<vmem_shared>>) dst(%dma_wait3A_269 : memref<128x128xf32, #tpu.memory_space<vmem>>)
        %mul3A_274 = arith.constant 128 : i32
        %mul3A_275 = arith.muli %add3A_262, %mul3A_274 : i32
        %add3A_276 = arith.addi %mul3A_12, %mul3A_275 : i32
        %dma_start3A_277 = arith.constant 2 : i32
        %dma_start3A_278 = arith.constant 0 : i32
        %dma_start3A_279 = arith.constant 0 : i32
        %dma_start3A_280 = tpu.memref_slice %arg7[%dma_start3A_277, %dma_start3A_278, %dma_start3A_279] : memref<4x128x128xf32, #tpu.memory_space<vmem>> -> memref<1x128x128xf32, #tpu.memory_space<vmem>>
        %dma_start3A_281 = tpu.memref_squeeze %dma_start3A_280 : memref<1x128x128xf32, #tpu.memory_space<vmem>> -> memref<128x128xf32, #tpu.memory_space<vmem>>
        %dma_start3A_282 = arith.constant 0 : i32
        %dma_start3A_283 = tpu.memref_slice %arg4[%add3A_276, %dma_start3A_282] : memref<100000x128xf32, #tpu.memory_space<hbm>> -> memref<128x128xf32, #tpu.memory_space<hbm>>
        %dma_start3A_284 = arith.constant 0 : i32
        %dma_start3A_285 = tpu.memref_slice %arg4[%add3A_276, %dma_start3A_284] : memref<100000x128xf32, #tpu.memory_space<hbm>> -> memref<128x128xf32, #tpu.memory_space<hbm>>
        %dma_start3A_286 = arith.constant 0 : i32
        %dma_start3A_287 = arith.constant 0 : i32
        %dma_start3A_288 = tpu.memref_slice %arg7[%dma_start3A_277, %dma_start3A_286, %dma_start3A_287] : memref<4x128x128xf32, #tpu.memory_space<vmem>> -> memref<1x128x128xf32, #tpu.memory_space<vmem>>
        %dma_start3A_289 = tpu.memref_squeeze %dma_start3A_288 : memref<1x128x128xf32, #tpu.memory_space<vmem>> -> memref<128x128xf32, #tpu.memory_space<vmem>>
        tpu.enqueue_dma source(%dma_start3A_289 : memref<128x128xf32, #tpu.memory_space<vmem>>) target(%dma_start3A_285 : memref<128x128xf32, #tpu.memory_space<hbm>>) target_semaphore(%arg15 : memref<!tpu.dma_semaphore, #tpu.memory_space<semaphore_mem>>)
        %add3A_290 = arith.constant 4 : i32
        %add3A_291 = arith.addi %add3A_262, %add3A_290 : i32
        %sub3A_292 = arith.constant 1 : i32
        %sub3A_293 = arith.subi %add3A_291, %sub3A_292 : i32
        %lt3A_294 = arith.constant 24 : i32
        %lt3A_295 = arith.cmpi slt, %sub3A_293, %lt3A_294 : i32
        %convert_element_type3A_296 = arith.extui %lt3A_295 : i1 to i32
        %cond3A_297 = arith.constant 0 : i32
        %cond3A_298 = arith.cmpi ne, %convert_element_type3A_296, %cond3A_297 : i32
        scf.if %cond3A_298 {
          %gt3A = arith.constant 0 : i32
          %gt3A_339 = arith.cmpi sgt, %add3A_262, %gt3A : i32
          %convert_element_type3A_340 = arith.extui %gt3A_339 : i1 to i32
          %cond3A_341 = arith.constant 0 : i32
          %cond3A_342 = arith.cmpi ne, %convert_element_type3A_340, %cond3A_341 : i32
          scf.if %cond3A_342 {
            %sub3A_354 = arith.constant 1 : i32
            %sub3A_355 = arith.subi %add3A_262, %sub3A_354 : i32
            %mul3A_356 = arith.constant 128 : i32
            %mul3A_357 = arith.muli %sub3A_355, %mul3A_356 : i32
            %add3A_358 = arith.addi %mul3A_12, %mul3A_357 : i32
            %dma_wait3A_359 = arith.constant 1 : i32
            %dma_wait3A_360 = arith.constant 0 : i32
            %dma_wait3A_361 = arith.constant 0 : i32
            %dma_wait3A_362 = tpu.memref_slice %arg7[%dma_wait3A_359, %dma_wait3A_360, %dma_wait3A_361] : memref<4x128x128xf32, #tpu.memory_space<vmem>> -> memref<1x128x128xf32, #tpu.memory_space<vmem>>
            %dma_wait3A_363 = tpu.memref_squeeze %dma_wait3A_362 : memref<1x128x128xf32, #tpu.memory_space<vmem>> -> memref<128x128xf32, #tpu.memory_space<vmem>>
            %dma_wait3A_364 = arith.constant 0 : i32
            %dma_wait3A_365 = tpu.memref_slice %arg4[%add3A_358, %dma_wait3A_364] : memref<100000x128xf32, #tpu.memory_space<hbm>> -> memref<128x128xf32, #tpu.memory_space<hbm>>
            %dma_wait3A_366 = arith.constant 0 : i32
            %dma_wait3A_367 = tpu.memref_slice %arg4[%add3A_358, %dma_wait3A_366] : memref<100000x128xf32, #tpu.memory_space<hbm>> -> memref<128x128xf32, #tpu.memory_space<hbm>>
            %dma_wait3A_368 = arith.constant 0 : i32
            %dma_wait3A_369 = arith.constant 0 : i32
            %dma_wait3A_370 = tpu.memref_slice %arg7[%dma_wait3A_359, %dma_wait3A_368, %dma_wait3A_369] : memref<4x128x128xf32, #tpu.memory_space<vmem>> -> memref<1x128x128xf32, #tpu.memory_space<vmem>>
            %dma_wait3A_371 = tpu.memref_squeeze %dma_wait3A_370 : memref<1x128x128xf32, #tpu.memory_space<vmem>> -> memref<128x128xf32, #tpu.memory_space<vmem>>
            tpu.wait_dma2 semaphore(%arg14 : memref<!tpu.dma_semaphore, #tpu.memory_space<semaphore_mem>>) src(%dma_wait3A_371 : memref<128x128xf32, #tpu.memory_space<vmem>>) dst(%dma_wait3A_367 : memref<128x128xf32, #tpu.memory_space<hbm>>)
          } else {
          }
          %mul3A_343 = arith.constant 128 : i32
          %mul3A_344 = arith.muli %sub3A_293, %mul3A_343 : i32
          %dma_start3A_345 = arith.constant 1 : i32
          %dma_start3A_346 = arith.constant 0 : i32
          %dma_start3A_347 = arith.constant 0 : i32
          %dma_start3A_348 = tpu.memref_slice %arg7[%dma_start3A_345, %dma_start3A_346, %dma_start3A_347] : memref<4x128x128xf32, #tpu.memory_space<vmem>> -> memref<1x128x128xf32, #tpu.memory_space<vmem>>
          %dma_start3A_349 = tpu.memref_squeeze %dma_start3A_348 : memref<1x128x128xf32, #tpu.memory_space<vmem>> -> memref<128x128xf32, #tpu.memory_space<vmem>>
          %dma_start3A_350 = tpu.memref_slice %arg6[%mul3A_344] : memref<3128xi32, #tpu.memory_space<vmem>> -> memref<128xi32, #tpu.memory_space<vmem>>
          %dma_start3A_351 = arith.constant 0 : i32
          %dma_start3A_352 = arith.constant 0 : i32
          %dma_start3A_353 = tpu.memref_slice %arg5[%dma_start3A_351, %dma_start3A_352] : memref<100x128xf32, #tpu.memory_space<vmem_shared>> -> memref<100x128xf32, #tpu.memory_space<vmem_shared>>
          tpu.enqueue_indirect_dma source(%dma_start3A_353 : memref<100x128xf32, #tpu.memory_space<vmem_shared>>) target(%dma_start3A_349 : memref<128x128xf32, #tpu.memory_space<vmem>>) offsets(%dma_start3A_350 : memref<128xi32, #tpu.memory_space<vmem>>) semaphore(%arg10 : memref<!tpu.dma_semaphore, #tpu.memory_space<semaphore_mem>>)
        } else {
        }
        %mul3A_299 = arith.constant 4 : i32
        %mul3A_300 = arith.muli %scan3A_179, %mul3A_299 : i32
        %add3A_301 = arith.constant 3 : i32
        %add3A_302 = arith.addi %mul3A_300, %add3A_301 : i32
        %mul3A_303 = arith.constant 128 : i32
        %mul3A_304 = arith.muli %add3A_302, %mul3A_303 : i32
        %dma_wait3A_305 = arith.constant 3 : i32
        %dma_wait3A_306 = arith.constant 0 : i32
        %dma_wait3A_307 = arith.constant 0 : i32
        %dma_wait3A_308 = tpu.memref_slice %arg7[%dma_wait3A_305, %dma_wait3A_306, %dma_wait3A_307] : memref<4x128x128xf32, #tpu.memory_space<vmem>> -> memref<1x128x128xf32, #tpu.memory_space<vmem>>
        %dma_wait3A_309 = tpu.memref_squeeze %dma_wait3A_308 : memref<1x128x128xf32, #tpu.memory_space<vmem>> -> memref<128x128xf32, #tpu.memory_space<vmem>>
        %dma_wait3A_310 = tpu.memref_slice %arg6[%mul3A_304] : memref<3128xi32, #tpu.memory_space<vmem>> -> memref<128xi32, #tpu.memory_space<vmem>>
        %dma_wait3A_311 = arith.constant 0 : i32
        %dma_wait3A_312 = arith.constant 0 : i32
        %dma_wait3A_313 = tpu.memref_slice %arg5[%dma_wait3A_311, %dma_wait3A_312] : memref<100x128xf32, #tpu.memory_space<vmem_shared>> -> memref<100x128xf32, #tpu.memory_space<vmem_shared>>
        tpu.wait_indirect_dma semaphore(%arg12 : memref<!tpu.dma_semaphore, #tpu.memory_space<semaphore_mem>>) src(%dma_wait3A_313 : memref<100x128xf32, #tpu.memory_space<vmem_shared>>) dst(%dma_wait3A_309 : memref<128x128xf32, #tpu.memory_space<vmem>>)
        %mul3A_314 = arith.constant 128 : i32
        %mul3A_315 = arith.muli %add3A_302, %mul3A_314 : i32
        %add3A_316 = arith.addi %mul3A_12, %mul3A_315 : i32
        %dma_start3A_317 = arith.constant 3 : i32
        %dma_start3A_318 = arith.constant 0 : i32
        %dma_start3A_319 = arith.constant 0 : i32
        %dma_start3A_320 = tpu.memref_slice %arg7[%dma_start3A_317, %dma_start3A_318, %dma_start3A_319] : memref<4x128x128xf32, #tpu.memory_space<vmem>> -> memref<1x128x128xf32, #tpu.memory_space<vmem>>
        %dma_start3A_321 = tpu.memref_squeeze %dma_start3A_320 : memref<1x128x128xf32, #tpu.memory_space<vmem>> -> memref<128x128xf32, #tpu.memory_space<vmem>>
        %dma_start3A_322 = arith.constant 0 : i32
        %dma_start3A_323 = tpu.memref_slice %arg4[%add3A_316, %dma_start3A_322] : memref<100000x128xf32, #tpu.memory_space<hbm>> -> memref<128x128xf32, #tpu.memory_space<hbm>>
        %dma_start3A_324 = arith.constant 0 : i32
        %dma_start3A_325 = tpu.memref_slice %arg4[%add3A_316, %dma_start3A_324] : memref<100000x128xf32, #tpu.memory_space<hbm>> -> memref<128x128xf32, #tpu.memory_space<hbm>>
        %dma_start3A_326 = arith.constant 0 : i32
        %dma_start3A_327 = arith.constant 0 : i32
        %dma_start3A_328 = tpu.memref_slice %arg7[%dma_start3A_317, %dma_start3A_326, %dma_start3A_327] : memref<4x128x128xf32, #tpu.memory_space<vmem>> -> memref<1x128x128xf32, #tpu.memory_space<vmem>>
        %dma_start3A_329 = tpu.memref_squeeze %dma_start3A_328 : memref<1x128x128xf32, #tpu.memory_space<vmem>> -> memref<128x128xf32, #tpu.memory_space<vmem>>
        tpu.enqueue_dma source(%dma_start3A_329 : memref<128x128xf32, #tpu.memory_space<vmem>>) target(%dma_start3A_325 : memref<128x128xf32, #tpu.memory_space<hbm>>) target_semaphore(%arg16 : memref<!tpu.dma_semaphore, #tpu.memory_space<semaphore_mem>>)
        %add3A_330 = arith.constant 4 : i32
        %add3A_331 = arith.addi %add3A_302, %add3A_330 : i32
        %sub3A_332 = arith.constant 1 : i32
        %sub3A_333 = arith.subi %add3A_331, %sub3A_332 : i32
        %lt3A_334 = arith.constant 24 : i32
        %lt3A_335 = arith.cmpi slt, %sub3A_333, %lt3A_334 : i32
        %convert_element_type3A_336 = arith.extui %lt3A_335 : i1 to i32
        %cond3A_337 = arith.constant 0 : i32
        %cond3A_338 = arith.cmpi ne, %convert_element_type3A_336, %cond3A_337 : i32
        scf.if %cond3A_338 {
          %gt3A = arith.constant 0 : i32
          %gt3A_339 = arith.cmpi sgt, %add3A_302, %gt3A : i32
          %convert_element_type3A_340 = arith.extui %gt3A_339 : i1 to i32
          %cond3A_341 = arith.constant 0 : i32
          %cond3A_342 = arith.cmpi ne, %convert_element_type3A_340, %cond3A_341 : i32
          scf.if %cond3A_342 {
            %sub3A_354 = arith.constant 1 : i32
            %sub3A_355 = arith.subi %add3A_302, %sub3A_354 : i32
            %mul3A_356 = arith.constant 128 : i32
            %mul3A_357 = arith.muli %sub3A_355, %mul3A_356 : i32
            %add3A_358 = arith.addi %mul3A_12, %mul3A_357 : i32
            %dma_wait3A_359 = arith.constant 2 : i32
            %dma_wait3A_360 = arith.constant 0 : i32
            %dma_wait3A_361 = arith.constant 0 : i32
            %dma_wait3A_362 = tpu.memref_slice %arg7[%dma_wait3A_359, %dma_wait3A_360, %dma_wait3A_361] : memref<4x128x128xf32, #tpu.memory_space<vmem>> -> memref<1x128x128xf32, #tpu.memory_space<vmem>>
            %dma_wait3A_363 = tpu.memref_squeeze %dma_wait3A_362 : memref<1x128x128xf32, #tpu.memory_space<vmem>> -> memref<128x128xf32, #tpu.memory_space<vmem>>
            %dma_wait3A_364 = arith.constant 0 : i32
            %dma_wait3A_365 = tpu.memref_slice %arg4[%add3A_358, %dma_wait3A_364] : memref<100000x128xf32, #tpu.memory_space<hbm>> -> memref<128x128xf32, #tpu.memory_space<hbm>>
            %dma_wait3A_366 = arith.constant 0 : i32
            %dma_wait3A_367 = tpu.memref_slice %arg4[%add3A_358, %dma_wait3A_366] : memref<100000x128xf32, #tpu.memory_space<hbm>> -> memref<128x128xf32, #tpu.memory_space<hbm>>
            %dma_wait3A_368 = arith.constant 0 : i32
            %dma_wait3A_369 = arith.constant 0 : i32
            %dma_wait3A_370 = tpu.memref_slice %arg7[%dma_wait3A_359, %dma_wait3A_368, %dma_wait3A_369] : memref<4x128x128xf32, #tpu.memory_space<vmem>> -> memref<1x128x128xf32, #tpu.memory_space<vmem>>
            %dma_wait3A_371 = tpu.memref_squeeze %dma_wait3A_370 : memref<1x128x128xf32, #tpu.memory_space<vmem>> -> memref<128x128xf32, #tpu.memory_space<vmem>>
            tpu.wait_dma2 semaphore(%arg15 : memref<!tpu.dma_semaphore, #tpu.memory_space<semaphore_mem>>) src(%dma_wait3A_371 : memref<128x128xf32, #tpu.memory_space<vmem>>) dst(%dma_wait3A_367 : memref<128x128xf32, #tpu.memory_space<hbm>>)
          } else {
          }
          %mul3A_343 = arith.constant 128 : i32
          %mul3A_344 = arith.muli %sub3A_333, %mul3A_343 : i32
          %dma_start3A_345 = arith.constant 2 : i32
          %dma_start3A_346 = arith.constant 0 : i32
          %dma_start3A_347 = arith.constant 0 : i32
          %dma_start3A_348 = tpu.memref_slice %arg7[%dma_start3A_345, %dma_start3A_346, %dma_start3A_347] : memref<4x128x128xf32, #tpu.memory_space<vmem>> -> memref<1x128x128xf32, #tpu.memory_space<vmem>>
          %dma_start3A_349 = tpu.memref_squeeze %dma_start3A_348 : memref<1x128x128xf32, #tpu.memory_space<vmem>> -> memref<128x128xf32, #tpu.memory_space<vmem>>
          %dma_start3A_350 = tpu.memref_slice %arg6[%mul3A_344] : memref<3128xi32, #tpu.memory_space<vmem>> -> memref<128xi32, #tpu.memory_space<vmem>>
          %dma_start3A_351 = arith.constant 0 : i32
          %dma_start3A_352 = arith.constant 0 : i32
          %dma_start3A_353 = tpu.memref_slice %arg5[%dma_start3A_351, %dma_start3A_352] : memref<100x128xf32, #tpu.memory_space<vmem_shared>> -> memref<100x128xf32, #tpu.memory_space<vmem_shared>>
          tpu.enqueue_indirect_dma source(%dma_start3A_353 : memref<100x128xf32, #tpu.memory_space<vmem_shared>>) target(%dma_start3A_349 : memref<128x128xf32, #tpu.memory_space<vmem>>) offsets(%dma_start3A_350 : memref<128xi32, #tpu.memory_space<vmem>>) semaphore(%arg11 : memref<!tpu.dma_semaphore, #tpu.memory_space<semaphore_mem>>)
        } else {
        }
      }
      %scan3A_51 = arith.constant 6 : i32
      %add3A_52 = arith.constant 2560 : i32
      %add3A_53 = arith.addi %mul3A_12, %add3A_52 : i32
      %dma_wait3A = arith.constant 0 : i32
      %dma_wait3A_54 = arith.constant 0 : i32
      %dma_wait3A_55 = arith.constant 0 : i32
      %dma_wait3A_56 = tpu.memref_slice %arg7[%dma_wait3A, %dma_wait3A_54, %dma_wait3A_55] : memref<4x128x128xf32, #tpu.memory_space<vmem>> -> memref<1x128x128xf32, #tpu.memory_space<vmem>>
      %dma_wait3A_57 = tpu.memref_squeeze %dma_wait3A_56 : memref<1x128x128xf32, #tpu.memory_space<vmem>> -> memref<128x128xf32, #tpu.memory_space<vmem>>
      %dma_wait3A_58 = arith.constant 0 : i32
      %dma_wait3A_59 = tpu.memref_slice %arg4[%add3A_53, %dma_wait3A_58] : memref<100000x128xf32, #tpu.memory_space<hbm>> -> memref<128x128xf32, #tpu.memory_space<hbm>>
      %dma_wait3A_60 = arith.constant 0 : i32
      %dma_wait3A_61 = tpu.memref_slice %arg4[%add3A_53, %dma_wait3A_60] : memref<100000x128xf32, #tpu.memory_space<hbm>> -> memref<128x128xf32, #tpu.memory_space<hbm>>
      %dma_wait3A_62 = arith.constant 0 : i32
      %dma_wait3A_63 = arith.constant 0 : i32
      %dma_wait3A_64 = tpu.memref_slice %arg7[%dma_wait3A, %dma_wait3A_62, %dma_wait3A_63] : memref<4x128x128xf32, #tpu.memory_space<vmem>> -> memref<1x128x128xf32, #tpu.memory_space<vmem>>
      %dma_wait3A_65 = tpu.memref_squeeze %dma_wait3A_64 : memref<1x128x128xf32, #tpu.memory_space<vmem>> -> memref<128x128xf32, #tpu.memory_space<vmem>>
      tpu.wait_dma2 semaphore(%arg13 : memref<!tpu.dma_semaphore, #tpu.memory_space<semaphore_mem>>) src(%dma_wait3A_65 : memref<128x128xf32, #tpu.memory_space<vmem>>) dst(%dma_wait3A_61 : memref<128x128xf32, #tpu.memory_space<hbm>>)
      %dma_start3A_66 = arith.constant 0 : i32
      %dma_start3A_67 = arith.constant 0 : i32
      %dma_start3A_68 = arith.constant 0 : i32
      %dma_start3A_69 = tpu.memref_slice %arg7[%dma_start3A_66, %dma_start3A_67, %dma_start3A_68] : memref<4x128x128xf32, #tpu.memory_space<vmem>> -> memref<1x128x128xf32, #tpu.memory_space<vmem>>
      %dma_start3A_70 = tpu.memref_squeeze %dma_start3A_69 : memref<1x128x128xf32, #tpu.memory_space<vmem>> -> memref<128x128xf32, #tpu.memory_space<vmem>>
      %dma_start3A_71 = arith.constant 0 : i32
      %dma_start3A_72 = arith.constant 0 : i32
      %dma_start3A_73 = tpu.memref_slice %dma_start3A_70[%dma_start3A_71, %dma_start3A_72] : memref<128x128xf32, #tpu.memory_space<vmem>> -> memref<56x128xf32, #tpu.memory_space<vmem>>
      %dma_start3A_74 = arith.constant 3072 : i32
      %dma_start3A_75 = tpu.memref_slice %arg6[%dma_start3A_74] : memref<3128xi32, #tpu.memory_space<vmem>> -> memref<56xi32, #tpu.memory_space<vmem>>
      %dma_start3A_76 = arith.constant 0 : i32
      %dma_start3A_77 = arith.constant 0 : i32
      %dma_start3A_78 = tpu.memref_slice %arg5[%dma_start3A_76, %dma_start3A_77] : memref<100x128xf32, #tpu.memory_space<vmem_shared>> -> memref<100x128xf32, #tpu.memory_space<vmem_shared>>
      tpu.enqueue_indirect_dma source(%dma_start3A_78 : memref<100x128xf32, #tpu.memory_space<vmem_shared>>) target(%dma_start3A_73 : memref<56x128xf32, #tpu.memory_space<vmem>>) offsets(%dma_start3A_75 : memref<56xi32, #tpu.memory_space<vmem>>) semaphore(%arg9 : memref<!tpu.dma_semaphore, #tpu.memory_space<semaphore_mem>>)
      %dma_wait3A_79 = arith.constant 0 : i32
      %dma_wait3A_80 = arith.constant 0 : i32
      %dma_wait3A_81 = arith.constant 0 : i32
      %dma_wait3A_82 = tpu.memref_slice %arg7[%dma_wait3A_79, %dma_wait3A_80, %dma_wait3A_81] : memref<4x128x128xf32, #tpu.memory_space<vmem>> -> memref<1x128x128xf32, #tpu.memory_space<vmem>>
      %dma_wait3A_83 = tpu.memref_squeeze %dma_wait3A_82 : memref<1x128x128xf32, #tpu.memory_space<vmem>> -> memref<128x128xf32, #tpu.memory_space<vmem>>
      %dma_wait3A_84 = arith.constant 0 : i32
      %dma_wait3A_85 = arith.constant 0 : i32
      %dma_wait3A_86 = tpu.memref_slice %dma_wait3A_83[%dma_wait3A_84, %dma_wait3A_85] : memref<128x128xf32, #tpu.memory_space<vmem>> -> memref<56x128xf32, #tpu.memory_space<vmem>>
      %dma_wait3A_87 = arith.constant 3072 : i32
      %dma_wait3A_88 = tpu.memref_slice %arg6[%dma_wait3A_87] : memref<3128xi32, #tpu.memory_space<vmem>> -> memref<56xi32, #tpu.memory_space<vmem>>
      %dma_wait3A_89 = arith.constant 0 : i32
      %dma_wait3A_90 = arith.constant 0 : i32
      %dma_wait3A_91 = tpu.memref_slice %arg5[%dma_wait3A_89, %dma_wait3A_90] : memref<100x128xf32, #tpu.memory_space<vmem_shared>> -> memref<100x128xf32, #tpu.memory_space<vmem_shared>>
      tpu.wait_indirect_dma semaphore(%arg9 : memref<!tpu.dma_semaphore, #tpu.memory_space<semaphore_mem>>) src(%dma_wait3A_91 : memref<100x128xf32, #tpu.memory_space<vmem_shared>>) dst(%dma_wait3A_86 : memref<56x128xf32, #tpu.memory_space<vmem>>)
      %add3A_92 = arith.constant 3072 : i32
      %add3A_93 = arith.addi %mul3A_12, %add3A_92 : i32
      %dma_start3A_94 = arith.constant 0 : i32
      %dma_start3A_95 = arith.constant 0 : i32
      %dma_start3A_96 = arith.constant 0 : i32
      %dma_start3A_97 = tpu.memref_slice %arg7[%dma_start3A_94, %dma_start3A_95, %dma_start3A_96] : memref<4x128x128xf32, #tpu.memory_space<vmem>> -> memref<1x128x128xf32, #tpu.memory_space<vmem>>
      %dma_start3A_98 = tpu.memref_squeeze %dma_start3A_97 : memref<1x128x128xf32, #tpu.memory_space<vmem>> -> memref<128x128xf32, #tpu.memory_space<vmem>>
      %dma_start3A_99 = arith.constant 0 : i32
      %dma_start3A_100 = arith.constant 0 : i32
      %dma_start3A_101 = tpu.memref_slice %dma_start3A_98[%dma_start3A_99, %dma_start3A_100] : memref<128x128xf32, #tpu.memory_space<vmem>> -> memref<56x128xf32, #tpu.memory_space<vmem>>
      %dma_start3A_102 = arith.constant 0 : i32
      %dma_start3A_103 = tpu.memref_slice %arg4[%add3A_93, %dma_start3A_102] : memref<100000x128xf32, #tpu.memory_space<hbm>> -> memref<56x128xf32, #tpu.memory_space<hbm>>
      %dma_start3A_104 = arith.constant 0 : i32
      %dma_start3A_105 = tpu.memref_slice %arg4[%add3A_93, %dma_start3A_104] : memref<100000x128xf32, #tpu.memory_space<hbm>> -> memref<56x128xf32, #tpu.memory_space<hbm>>
      %dma_start3A_106 = arith.constant 0 : i32
      %dma_start3A_107 = arith.constant 0 : i32
      %dma_start3A_108 = tpu.memref_slice %arg7[%dma_start3A_94, %dma_start3A_106, %dma_start3A_107] : memref<4x128x128xf32, #tpu.memory_space<vmem>> -> memref<1x128x128xf32, #tpu.memory_space<vmem>>
      %dma_start3A_109 = tpu.memref_squeeze %dma_start3A_108 : memref<1x128x128xf32, #tpu.memory_space<vmem>> -> memref<128x128xf32, #tpu.memory_space<vmem>>
      %dma_start3A_110 = arith.constant 0 : i32
      %dma_start3A_111 = arith.constant 0 : i32
      %dma_start3A_112 = tpu.memref_slice %dma_start3A_109[%dma_start3A_110, %dma_start3A_111] : memref<128x128xf32, #tpu.memory_space<vmem>> -> memref<56x128xf32, #tpu.memory_space<vmem>>
      tpu.enqueue_dma source(%dma_start3A_112 : memref<56x128xf32, #tpu.memory_space<vmem>>) target(%dma_start3A_105 : memref<56x128xf32, #tpu.memory_space<hbm>>) target_semaphore(%arg13 : memref<!tpu.dma_semaphore, #tpu.memory_space<semaphore_mem>>)
      %add3A_113 = arith.constant 2688 : i32
      %add3A_114 = arith.addi %mul3A_12, %add3A_113 : i32
      %dma_wait3A_115 = arith.constant 1 : i32
      %dma_wait3A_116 = arith.constant 0 : i32
      %dma_wait3A_117 = arith.constant 0 : i32
      %dma_wait3A_118 = tpu.memref_slice %arg7[%dma_wait3A_115, %dma_wait3A_116, %dma_wait3A_117] : memref<4x128x128xf32, #tpu.memory_space<vmem>> -> memref<1x128x128xf32, #tpu.memory_space<vmem>>
      %dma_wait3A_119 = tpu.memref_squeeze %dma_wait3A_118 : memref<1x128x128xf32, #tpu.memory_space<vmem>> -> memref<128x128xf32, #tpu.memory_space<vmem>>
      %dma_wait3A_120 = arith.constant 0 : i32
      %dma_wait3A_121 = tpu.memref_slice %arg4[%add3A_114, %dma_wait3A_120] : memref<100000x128xf32, #tpu.memory_space<hbm>> -> memref<128x128xf32, #tpu.memory_space<hbm>>
      %dma_wait3A_122 = arith.constant 0 : i32
      %dma_wait3A_123 = tpu.memref_slice %arg4[%add3A_114, %dma_wait3A_122] : memref<100000x128xf32, #tpu.memory_space<hbm>> -> memref<128x128xf32, #tpu.memory_space<hbm>>
      %dma_wait3A_124 = arith.constant 0 : i32
      %dma_wait3A_125 = arith.constant 0 : i32
      %dma_wait3A_126 = tpu.memref_slice %arg7[%dma_wait3A_115, %dma_wait3A_124, %dma_wait3A_125] : memref<4x128x128xf32, #tpu.memory_space<vmem>> -> memref<1x128x128xf32, #tpu.memory_space<vmem>>
      %dma_wait3A_127 = tpu.memref_squeeze %dma_wait3A_126 : memref<1x128x128xf32, #tpu.memory_space<vmem>> -> memref<128x128xf32, #tpu.memory_space<vmem>>
      tpu.wait_dma2 semaphore(%arg14 : memref<!tpu.dma_semaphore, #tpu.memory_space<semaphore_mem>>) src(%dma_wait3A_127 : memref<128x128xf32, #tpu.memory_space<vmem>>) dst(%dma_wait3A_123 : memref<128x128xf32, #tpu.memory_space<hbm>>)
      %add3A_128 = arith.constant 2816 : i32
      %add3A_129 = arith.addi %mul3A_12, %add3A_128 : i32
      %dma_wait3A_130 = arith.constant 2 : i32
      %dma_wait3A_131 = arith.constant 0 : i32
      %dma_wait3A_132 = arith.constant 0 : i32
      %dma_wait3A_133 = tpu.memref_slice %arg7[%dma_wait3A_130, %dma_wait3A_131, %dma_wait3A_132] : memref<4x128x128xf32, #tpu.memory_space<vmem>> -> memref<1x128x128xf32, #tpu.memory_space<vmem>>
      %dma_wait3A_134 = tpu.memref_squeeze %dma_wait3A_133 : memref<1x128x128xf32, #tpu.memory_space<vmem>> -> memref<128x128xf32, #tpu.memory_space<vmem>>
      %dma_wait3A_135 = arith.constant 0 : i32
      %dma_wait3A_136 = tpu.memref_slice %arg4[%add3A_129, %dma_wait3A_135] : memref<100000x128xf32, #tpu.memory_space<hbm>> -> memref<128x128xf32, #tpu.memory_space<hbm>>
      %dma_wait3A_137 = arith.constant 0 : i32
      %dma_wait3A_138 = tpu.memref_slice %arg4[%add3A_129, %dma_wait3A_137] : memref<100000x128xf32, #tpu.memory_space<hbm>> -> memref<128x128xf32, #tpu.memory_space<hbm>>
      %dma_wait3A_139 = arith.constant 0 : i32
      %dma_wait3A_140 = arith.constant 0 : i32
      %dma_wait3A_141 = tpu.memref_slice %arg7[%dma_wait3A_130, %dma_wait3A_139, %dma_wait3A_140] : memref<4x128x128xf32, #tpu.memory_space<vmem>> -> memref<1x128x128xf32, #tpu.memory_space<vmem>>
      %dma_wait3A_142 = tpu.memref_squeeze %dma_wait3A_141 : memref<1x128x128xf32, #tpu.memory_space<vmem>> -> memref<128x128xf32, #tpu.memory_space<vmem>>
      tpu.wait_dma2 semaphore(%arg15 : memref<!tpu.dma_semaphore, #tpu.memory_space<semaphore_mem>>) src(%dma_wait3A_142 : memref<128x128xf32, #tpu.memory_space<vmem>>) dst(%dma_wait3A_138 : memref<128x128xf32, #tpu.memory_space<hbm>>)
      %add3A_143 = arith.constant 2944 : i32
      %add3A_144 = arith.addi %mul3A_12, %add3A_143 : i32
      %dma_wait3A_145 = arith.constant 3 : i32
      %dma_wait3A_146 = arith.constant 0 : i32
      %dma_wait3A_147 = arith.constant 0 : i32
      %dma_wait3A_148 = tpu.memref_slice %arg7[%dma_wait3A_145, %dma_wait3A_146, %dma_wait3A_147] : memref<4x128x128xf32, #tpu.memory_space<vmem>> -> memref<1x128x128xf32, #tpu.memory_space<vmem>>
      %dma_wait3A_149 = tpu.memref_squeeze %dma_wait3A_148 : memref<1x128x128xf32, #tpu.memory_space<vmem>> -> memref<128x128xf32, #tpu.memory_space<vmem>>
      %dma_wait3A_150 = arith.constant 0 : i32
      %dma_wait3A_151 = tpu.memref_slice %arg4[%add3A_144, %dma_wait3A_150] : memref<100000x128xf32, #tpu.memory_space<hbm>> -> memref<128x128xf32, #tpu.memory_space<hbm>>
      %dma_wait3A_152 = arith.constant 0 : i32
      %dma_wait3A_153 = tpu.memref_slice %arg4[%add3A_144, %dma_wait3A_152] : memref<100000x128xf32, #tpu.memory_space<hbm>> -> memref<128x128xf32, #tpu.memory_space<hbm>>
      %dma_wait3A_154 = arith.constant 0 : i32
      %dma_wait3A_155 = arith.constant 0 : i32
      %dma_wait3A_156 = tpu.memref_slice %arg7[%dma_wait3A_145, %dma_wait3A_154, %dma_wait3A_155] : memref<4x128x128xf32, #tpu.memory_space<vmem>> -> memref<1x128x128xf32, #tpu.memory_space<vmem>>
      %dma_wait3A_157 = tpu.memref_squeeze %dma_wait3A_156 : memref<1x128x128xf32, #tpu.memory_space<vmem>> -> memref<128x128xf32, #tpu.memory_space<vmem>>
      tpu.wait_dma2 semaphore(%arg16 : memref<!tpu.dma_semaphore, #tpu.memory_space<semaphore_mem>>) src(%dma_wait3A_157 : memref<128x128xf32, #tpu.memory_space<vmem>>) dst(%dma_wait3A_153 : memref<128x128xf32, #tpu.memory_space<hbm>>)
      %add3A_158 = arith.constant 3072 : i32
      %add3A_159 = arith.addi %mul3A_12, %add3A_158 : i32
      %dma_wait3A_160 = arith.constant 0 : i32
      %dma_wait3A_161 = arith.constant 0 : i32
      %dma_wait3A_162 = arith.constant 0 : i32
      %dma_wait3A_163 = tpu.memref_slice %arg7[%dma_wait3A_160, %dma_wait3A_161, %dma_wait3A_162] : memref<4x128x128xf32, #tpu.memory_space<vmem>> -> memref<1x128x128xf32, #tpu.memory_space<vmem>>
      %dma_wait3A_164 = tpu.memref_squeeze %dma_wait3A_163 : memref<1x128x128xf32, #tpu.memory_space<vmem>> -> memref<128x128xf32, #tpu.memory_space<vmem>>
      %dma_wait3A_165 = arith.constant 0 : i32
      %dma_wait3A_166 = arith.constant 0 : i32
      %dma_wait3A_167 = tpu.memref_slice %dma_wait3A_164[%dma_wait3A_165, %dma_wait3A_166] : memref<128x128xf32, #tpu.memory_space<vmem>> -> memref<56x128xf32, #tpu.memory_space<vmem>>
      %dma_wait3A_168 = arith.constant 0 : i32
      %dma_wait3A_169 = tpu.memref_slice %arg4[%add3A_159, %dma_wait3A_168] : memref<100000x128xf32, #tpu.memory_space<hbm>> -> memref<56x128xf32, #tpu.memory_space<hbm>>
      %dma_wait3A_170 = arith.constant 0 : i32
      %dma_wait3A_171 = tpu.memref_slice %arg4[%add3A_159, %dma_wait3A_170] : memref<100000x128xf32, #tpu.memory_space<hbm>> -> memref<56x128xf32, #tpu.memory_space<hbm>>
      %dma_wait3A_172 = arith.constant 0 : i32
      %dma_wait3A_173 = arith.constant 0 : i32
      %dma_wait3A_174 = tpu.memref_slice %arg7[%dma_wait3A_160, %dma_wait3A_172, %dma_wait3A_173] : memref<4x128x128xf32, #tpu.memory_space<vmem>> -> memref<1x128x128xf32, #tpu.memory_space<vmem>>
      %dma_wait3A_175 = tpu.memref_squeeze %dma_wait3A_174 : memref<1x128x128xf32, #tpu.memory_space<vmem>> -> memref<128x128xf32, #tpu.memory_space<vmem>>
      %dma_wait3A_176 = arith.constant 0 : i32
      %dma_wait3A_177 = arith.constant 0 : i32
      %dma_wait3A_178 = tpu.memref_slice %dma_wait3A_175[%dma_wait3A_176, %dma_wait3A_177] : memref<128x128xf32, #tpu.memory_space<vmem>> -> memref<56x128xf32, #tpu.memory_space<vmem>>
      tpu.wait_dma2 semaphore(%arg13 : memref<!tpu.dma_semaphore, #tpu.memory_space<semaphore_mem>>) src(%dma_wait3A_178 : memref<56x128xf32, #tpu.memory_space<vmem>>) dst(%dma_wait3A_171 : memref<56x128xf32, #tpu.memory_space<hbm>>)
    } else {
    }
    %ge3A = arith.constant 20 : i32
    %ge3A_7 = arith.cmpi sge, %add3A, %ge3A : i32
    %convert_element_type3A_8 = arith.extui %ge3A_7 : i1 to i32
    %cond3A_9 = arith.constant 0 : i32
    %cond3A_10 = arith.cmpi ne, %convert_element_type3A_8, %cond3A_9 : i32
    scf.if %cond3A_10 {
      %sub3A = arith.constant 20 : i32
      %sub3A_11 = arith.subi %add3A, %sub3A : i32
      %mul3A_12 = arith.constant 3120 : i32
      %mul3A_13 = arith.muli %sub3A_11, %mul3A_12 : i32
      %add3A_14 = arith.constant 62560 : i32
      %add3A_15 = arith.addi %add3A_14, %mul3A_13 : i32
      "tpu.region"() ({
        %run_scoped3A = tpu.sem_alloc : memref<!tpu.dma_semaphore, #tpu.memory_space<semaphore_mem>>
        %dma_start3A_182 = arith.constant 0 : i32
        %dma_start3A_183 = tpu.memref_slice %arg6[%dma_start3A_182] : memref<3128xi32, #tpu.memory_space<vmem>> -> memref<3120xi32, #tpu.memory_space<vmem>>
        %dma_start3A_184 = tpu.memref_slice %arg3[%add3A_15] : memref<100000xi32, #tpu.memory_space<hbm>> -> memref<3120xi32, #tpu.memory_space<hbm>>
        %dma_start3A_185 = arith.constant 0 : i32
        %dma_start3A_186 = tpu.memref_slice %arg6[%dma_start3A_185] : memref<3128xi32, #tpu.memory_space<vmem>> -> memref<3120xi32, #tpu.memory_space<vmem>>
        %dma_start3A_187 = tpu.memref_slice %arg3[%add3A_15] : memref<100000xi32, #tpu.memory_space<hbm>> -> memref<3120xi32, #tpu.memory_space<hbm>>
        tpu.enqueue_dma source(%dma_start3A_187 : memref<3120xi32, #tpu.memory_space<hbm>>) target(%dma_start3A_186 : memref<3120xi32, #tpu.memory_space<vmem>>) target_semaphore(%run_scoped3A : memref<!tpu.dma_semaphore, #tpu.memory_space<semaphore_mem>>)
        %dma_wait3A_188 = arith.constant 0 : i32
        %dma_wait3A_189 = tpu.memref_slice %arg6[%dma_wait3A_188] : memref<3128xi32, #tpu.memory_space<vmem>> -> memref<3120xi32, #tpu.memory_space<vmem>>
        %dma_wait3A_190 = tpu.memref_slice %arg3[%add3A_15] : memref<100000xi32, #tpu.memory_space<hbm>> -> memref<3120xi32, #tpu.memory_space<hbm>>
        %dma_wait3A_191 = arith.constant 0 : i32
        %dma_wait3A_192 = tpu.memref_slice %arg6[%dma_wait3A_191] : memref<3128xi32, #tpu.memory_space<vmem>> -> memref<3120xi32, #tpu.memory_space<vmem>>
        %dma_wait3A_193 = tpu.memref_slice %arg3[%add3A_15] : memref<100000xi32, #tpu.memory_space<hbm>> -> memref<3120xi32, #tpu.memory_space<hbm>>
        tpu.wait_dma2 semaphore(%run_scoped3A : memref<!tpu.dma_semaphore, #tpu.memory_space<semaphore_mem>>) src(%dma_wait3A_193 : memref<3120xi32, #tpu.memory_space<hbm>>) dst(%dma_wait3A_192 : memref<3120xi32, #tpu.memory_space<vmem>>)
        tpu.yield
      }) : () -> ()
      %eq3A_16 = arith.constant 0 : i32
      %eq3A_17 = arith.cmpi eq, %arg1, %eq3A_16 : i32
      %convert_element_type3A_18 = arith.extui %eq3A_17 : i1 to i32
      %cond3A_19 = arith.constant 0 : i32
      %cond3A_20 = arith.cmpi ne, %convert_element_type3A_18, %cond3A_19 : i32
      scf.if %cond3A_20 {
        tpu.wait_dma2 semaphore(%arg8 : memref<!tpu.dma_semaphore, #tpu.memory_space<semaphore_mem>>) src(%arg2 : memref<100x128xf32, #tpu.memory_space<hbm>>) dst(%arg5 : memref<100x128xf32, #tpu.memory_space<vmem_shared>>)
      } else {
      }
      %barrier3A = arith.constant 0 : index
      tpu.barrier barrier_id(%barrier3A)
      %dma_start3A = arith.constant 0 : i32
      %dma_start3A_21 = arith.constant 0 : i32
      %dma_start3A_22 = arith.constant 0 : i32
      %dma_start3A_23 = tpu.memref_slice %arg7[%dma_start3A, %dma_start3A_21, %dma_start3A_22] : memref<4x128x128xf32, #tpu.memory_space<vmem>> -> memref<1x128x128xf32, #tpu.memory_space<vmem>>
      %dma_start3A_24 = tpu.memref_squeeze %dma_start3A_23 : memref<1x128x128xf32, #tpu.memory_space<vmem>> -> memref<128x128xf32, #tpu.memory_space<vmem>>
      %dma_start3A_25 = arith.constant 0 : i32
      %dma_start3A_26 = tpu.memref_slice %arg6[%dma_start3A_25] : memref<3128xi32, #tpu.memory_space<vmem>> -> memref<128xi32, #tpu.memory_space<vmem>>
      %dma_start3A_27 = arith.constant 0 : i32
      %dma_start3A_28 = arith.constant 0 : i32
      %dma_start3A_29 = tpu.memref_slice %arg5[%dma_start3A_27, %dma_start3A_28] : memref<100x128xf32, #tpu.memory_space<vmem_shared>> -> memref<100x128xf32, #tpu.memory_space<vmem_shared>>
      tpu.enqueue_indirect_dma source(%dma_start3A_29 : memref<100x128xf32, #tpu.memory_space<vmem_shared>>) target(%dma_start3A_24 : memref<128x128xf32, #tpu.memory_space<vmem>>) offsets(%dma_start3A_26 : memref<128xi32, #tpu.memory_space<vmem>>) semaphore(%arg9 : memref<!tpu.dma_semaphore, #tpu.memory_space<semaphore_mem>>)
      %dma_start3A_30 = arith.constant 1 : i32
      %dma_start3A_31 = arith.constant 0 : i32
      %dma_start3A_32 = arith.constant 0 : i32
      %dma_start3A_33 = tpu.memref_slice %arg7[%dma_start3A_30, %dma_start3A_31, %dma_start3A_32] : memref<4x128x128xf32, #tpu.memory_space<vmem>> -> memref<1x128x128xf32, #tpu.memory_space<vmem>>
      %dma_start3A_34 = tpu.memref_squeeze %dma_start3A_33 : memref<1x128x128xf32, #tpu.memory_space<vmem>> -> memref<128x128xf32, #tpu.memory_space<vmem>>
      %dma_start3A_35 = arith.constant 128 : i32
      %dma_start3A_36 = tpu.memref_slice %arg6[%dma_start3A_35] : memref<3128xi32, #tpu.memory_space<vmem>> -> memref<128xi32, #tpu.memory_space<vmem>>
      %dma_start3A_37 = arith.constant 0 : i32
      %dma_start3A_38 = arith.constant 0 : i32
      %dma_start3A_39 = tpu.memref_slice %arg5[%dma_start3A_37, %dma_start3A_38] : memref<100x128xf32, #tpu.memory_space<vmem_shared>> -> memref<100x128xf32, #tpu.memory_space<vmem_shared>>
      tpu.enqueue_indirect_dma source(%dma_start3A_39 : memref<100x128xf32, #tpu.memory_space<vmem_shared>>) target(%dma_start3A_34 : memref<128x128xf32, #tpu.memory_space<vmem>>) offsets(%dma_start3A_36 : memref<128xi32, #tpu.memory_space<vmem>>) semaphore(%arg10 : memref<!tpu.dma_semaphore, #tpu.memory_space<semaphore_mem>>)
      %dma_start3A_40 = arith.constant 2 : i32
      %dma_start3A_41 = arith.constant 0 : i32
      %dma_start3A_42 = arith.constant 0 : i32
      %dma_start3A_43 = tpu.memref_slice %arg7[%dma_start3A_40, %dma_start3A_41, %dma_start3A_42] : memref<4x128x128xf32, #tpu.memory_space<vmem>> -> memref<1x128x128xf32, #tpu.memory_space<vmem>>
      %dma_start3A_44 = tpu.memref_squeeze %dma_start3A_43 : memref<1x128x128xf32, #tpu.memory_space<vmem>> -> memref<128x128xf32, #tpu.memory_space<vmem>>
      %dma_start3A_45 = arith.constant 256 : i32
      %dma_start3A_46 = tpu.memref_slice %arg6[%dma_start3A_45] : memref<3128xi32, #tpu.memory_space<vmem>> -> memref<128xi32, #tpu.memory_space<vmem>>
      %dma_start3A_47 = arith.constant 0 : i32
      %dma_start3A_48 = arith.constant 0 : i32
      %dma_start3A_49 = tpu.memref_slice %arg5[%dma_start3A_47, %dma_start3A_48] : memref<100x128xf32, #tpu.memory_space<vmem_shared>> -> memref<100x128xf32, #tpu.memory_space<vmem_shared>>
      tpu.enqueue_indirect_dma source(%dma_start3A_49 : memref<100x128xf32, #tpu.memory_space<vmem_shared>>) target(%dma_start3A_44 : memref<128x128xf32, #tpu.memory_space<vmem>>) offsets(%dma_start3A_46 : memref<128xi32, #tpu.memory_space<vmem>>) semaphore(%arg11 : memref<!tpu.dma_semaphore, #tpu.memory_space<semaphore_mem>>)
      %scan3A = arith.constant 0 : i32
      %scan3A_50 = arith.constant 0 : i32
      %scan3A_51 = arith.constant 6 : i32
      %scan3A_52 = arith.addi %scan3A_50, %scan3A_51 : i32
      %scan3A_53 = arith.constant 1 : i32
      scf.for %scan3A_182 = %scan3A_50 to %scan3A_52 step %scan3A_53  : i32 {
        %mul3A_183 = arith.constant 4 : i32
        %mul3A_184 = arith.muli %scan3A_182, %mul3A_183 : i32
        %add3A_185 = arith.constant 0 : i32
        %add3A_186 = arith.addi %mul3A_184, %add3A_185 : i32
        %mul3A_187 = arith.constant 128 : i32
        %mul3A_188 = arith.muli %add3A_186, %mul3A_187 : i32
        %dma_wait3A_189 = arith.constant 0 : i32
        %dma_wait3A_190 = arith.constant 0 : i32
        %dma_wait3A_191 = arith.constant 0 : i32
        %dma_wait3A_192 = tpu.memref_slice %arg7[%dma_wait3A_189, %dma_wait3A_190, %dma_wait3A_191] : memref<4x128x128xf32, #tpu.memory_space<vmem>> -> memref<1x128x128xf32, #tpu.memory_space<vmem>>
        %dma_wait3A_193 = tpu.memref_squeeze %dma_wait3A_192 : memref<1x128x128xf32, #tpu.memory_space<vmem>> -> memref<128x128xf32, #tpu.memory_space<vmem>>
        %dma_wait3A_194 = tpu.memref_slice %arg6[%mul3A_188] : memref<3128xi32, #tpu.memory_space<vmem>> -> memref<128xi32, #tpu.memory_space<vmem>>
        %dma_wait3A_195 = arith.constant 0 : i32
        %dma_wait3A_196 = arith.constant 0 : i32
        %dma_wait3A_197 = tpu.memref_slice %arg5[%dma_wait3A_195, %dma_wait3A_196] : memref<100x128xf32, #tpu.memory_space<vmem_shared>> -> memref<100x128xf32, #tpu.memory_space<vmem_shared>>
        tpu.wait_indirect_dma semaphore(%arg9 : memref<!tpu.dma_semaphore, #tpu.memory_space<semaphore_mem>>) src(%dma_wait3A_197 : memref<100x128xf32, #tpu.memory_space<vmem_shared>>) dst(%dma_wait3A_193 : memref<128x128xf32, #tpu.memory_space<vmem>>)
        %mul3A_198 = arith.constant 128 : i32
        %mul3A_199 = arith.muli %add3A_186, %mul3A_198 : i32
        %add3A_200 = arith.addi %add3A_15, %mul3A_199 : i32
        %dma_start3A_201 = arith.constant 0 : i32
        %dma_start3A_202 = arith.constant 0 : i32
        %dma_start3A_203 = arith.constant 0 : i32
        %dma_start3A_204 = tpu.memref_slice %arg7[%dma_start3A_201, %dma_start3A_202, %dma_start3A_203] : memref<4x128x128xf32, #tpu.memory_space<vmem>> -> memref<1x128x128xf32, #tpu.memory_space<vmem>>
        %dma_start3A_205 = tpu.memref_squeeze %dma_start3A_204 : memref<1x128x128xf32, #tpu.memory_space<vmem>> -> memref<128x128xf32, #tpu.memory_space<vmem>>
        %dma_start3A_206 = arith.constant 0 : i32
        %dma_start3A_207 = tpu.memref_slice %arg4[%add3A_200, %dma_start3A_206] : memref<100000x128xf32, #tpu.memory_space<hbm>> -> memref<128x128xf32, #tpu.memory_space<hbm>>
        %dma_start3A_208 = arith.constant 0 : i32
        %dma_start3A_209 = tpu.memref_slice %arg4[%add3A_200, %dma_start3A_208] : memref<100000x128xf32, #tpu.memory_space<hbm>> -> memref<128x128xf32, #tpu.memory_space<hbm>>
        %dma_start3A_210 = arith.constant 0 : i32
        %dma_start3A_211 = arith.constant 0 : i32
        %dma_start3A_212 = tpu.memref_slice %arg7[%dma_start3A_201, %dma_start3A_210, %dma_start3A_211] : memref<4x128x128xf32, #tpu.memory_space<vmem>> -> memref<1x128x128xf32, #tpu.memory_space<vmem>>
        %dma_start3A_213 = tpu.memref_squeeze %dma_start3A_212 : memref<1x128x128xf32, #tpu.memory_space<vmem>> -> memref<128x128xf32, #tpu.memory_space<vmem>>
        tpu.enqueue_dma source(%dma_start3A_213 : memref<128x128xf32, #tpu.memory_space<vmem>>) target(%dma_start3A_209 : memref<128x128xf32, #tpu.memory_space<hbm>>) target_semaphore(%arg13 : memref<!tpu.dma_semaphore, #tpu.memory_space<semaphore_mem>>)
        %add3A_214 = arith.constant 4 : i32
        %add3A_215 = arith.addi %add3A_186, %add3A_214 : i32
        %sub3A_216 = arith.constant 1 : i32
        %sub3A_217 = arith.subi %add3A_215, %sub3A_216 : i32
        %lt3A_218 = arith.constant 24 : i32
        %lt3A_219 = arith.cmpi slt, %sub3A_217, %lt3A_218 : i32
        %convert_element_type3A_220 = arith.extui %lt3A_219 : i1 to i32
        %cond3A_221 = arith.constant 0 : i32
        %cond3A_222 = arith.cmpi ne, %convert_element_type3A_220, %cond3A_221 : i32
        scf.if %cond3A_222 {
          %gt3A = arith.constant 0 : i32
          %gt3A_343 = arith.cmpi sgt, %add3A_186, %gt3A : i32
          %convert_element_type3A_344 = arith.extui %gt3A_343 : i1 to i32
          %cond3A_345 = arith.constant 0 : i32
          %cond3A_346 = arith.cmpi ne, %convert_element_type3A_344, %cond3A_345 : i32
          scf.if %cond3A_346 {
            %sub3A_358 = arith.constant 1 : i32
            %sub3A_359 = arith.subi %add3A_186, %sub3A_358 : i32
            %mul3A_360 = arith.constant 128 : i32
            %mul3A_361 = arith.muli %sub3A_359, %mul3A_360 : i32
            %add3A_362 = arith.addi %add3A_15, %mul3A_361 : i32
            %dma_wait3A_363 = arith.constant 3 : i32
            %dma_wait3A_364 = arith.constant 0 : i32
            %dma_wait3A_365 = arith.constant 0 : i32
            %dma_wait3A_366 = tpu.memref_slice %arg7[%dma_wait3A_363, %dma_wait3A_364, %dma_wait3A_365] : memref<4x128x128xf32, #tpu.memory_space<vmem>> -> memref<1x128x128xf32, #tpu.memory_space<vmem>>
            %dma_wait3A_367 = tpu.memref_squeeze %dma_wait3A_366 : memref<1x128x128xf32, #tpu.memory_space<vmem>> -> memref<128x128xf32, #tpu.memory_space<vmem>>
            %dma_wait3A_368 = arith.constant 0 : i32
            %dma_wait3A_369 = tpu.memref_slice %arg4[%add3A_362, %dma_wait3A_368] : memref<100000x128xf32, #tpu.memory_space<hbm>> -> memref<128x128xf32, #tpu.memory_space<hbm>>
            %dma_wait3A_370 = arith.constant 0 : i32
            %dma_wait3A_371 = tpu.memref_slice %arg4[%add3A_362, %dma_wait3A_370] : memref<100000x128xf32, #tpu.memory_space<hbm>> -> memref<128x128xf32, #tpu.memory_space<hbm>>
            %dma_wait3A_372 = arith.constant 0 : i32
            %dma_wait3A_373 = arith.constant 0 : i32
            %dma_wait3A_374 = tpu.memref_slice %arg7[%dma_wait3A_363, %dma_wait3A_372, %dma_wait3A_373] : memref<4x128x128xf32, #tpu.memory_space<vmem>> -> memref<1x128x128xf32, #tpu.memory_space<vmem>>
            %dma_wait3A_375 = tpu.memref_squeeze %dma_wait3A_374 : memref<1x128x128xf32, #tpu.memory_space<vmem>> -> memref<128x128xf32, #tpu.memory_space<vmem>>
            tpu.wait_dma2 semaphore(%arg16 : memref<!tpu.dma_semaphore, #tpu.memory_space<semaphore_mem>>) src(%dma_wait3A_375 : memref<128x128xf32, #tpu.memory_space<vmem>>) dst(%dma_wait3A_371 : memref<128x128xf32, #tpu.memory_space<hbm>>)
          } else {
          }
          %mul3A_347 = arith.constant 128 : i32
          %mul3A_348 = arith.muli %sub3A_217, %mul3A_347 : i32
          %dma_start3A_349 = arith.constant 3 : i32
          %dma_start3A_350 = arith.constant 0 : i32
          %dma_start3A_351 = arith.constant 0 : i32
          %dma_start3A_352 = tpu.memref_slice %arg7[%dma_start3A_349, %dma_start3A_350, %dma_start3A_351] : memref<4x128x128xf32, #tpu.memory_space<vmem>> -> memref<1x128x128xf32, #tpu.memory_space<vmem>>
          %dma_start3A_353 = tpu.memref_squeeze %dma_start3A_352 : memref<1x128x128xf32, #tpu.memory_space<vmem>> -> memref<128x128xf32, #tpu.memory_space<vmem>>
          %dma_start3A_354 = tpu.memref_slice %arg6[%mul3A_348] : memref<3128xi32, #tpu.memory_space<vmem>> -> memref<128xi32, #tpu.memory_space<vmem>>
          %dma_start3A_355 = arith.constant 0 : i32
          %dma_start3A_356 = arith.constant 0 : i32
          %dma_start3A_357 = tpu.memref_slice %arg5[%dma_start3A_355, %dma_start3A_356] : memref<100x128xf32, #tpu.memory_space<vmem_shared>> -> memref<100x128xf32, #tpu.memory_space<vmem_shared>>
          tpu.enqueue_indirect_dma source(%dma_start3A_357 : memref<100x128xf32, #tpu.memory_space<vmem_shared>>) target(%dma_start3A_353 : memref<128x128xf32, #tpu.memory_space<vmem>>) offsets(%dma_start3A_354 : memref<128xi32, #tpu.memory_space<vmem>>) semaphore(%arg12 : memref<!tpu.dma_semaphore, #tpu.memory_space<semaphore_mem>>)
        } else {
        }
        %mul3A_223 = arith.constant 4 : i32
        %mul3A_224 = arith.muli %scan3A_182, %mul3A_223 : i32
        %add3A_225 = arith.constant 1 : i32
        %add3A_226 = arith.addi %mul3A_224, %add3A_225 : i32
        %mul3A_227 = arith.constant 128 : i32
        %mul3A_228 = arith.muli %add3A_226, %mul3A_227 : i32
        %dma_wait3A_229 = arith.constant 1 : i32
        %dma_wait3A_230 = arith.constant 0 : i32
        %dma_wait3A_231 = arith.constant 0 : i32
        %dma_wait3A_232 = tpu.memref_slice %arg7[%dma_wait3A_229, %dma_wait3A_230, %dma_wait3A_231] : memref<4x128x128xf32, #tpu.memory_space<vmem>> -> memref<1x128x128xf32, #tpu.memory_space<vmem>>
        %dma_wait3A_233 = tpu.memref_squeeze %dma_wait3A_232 : memref<1x128x128xf32, #tpu.memory_space<vmem>> -> memref<128x128xf32, #tpu.memory_space<vmem>>
        %dma_wait3A_234 = tpu.memref_slice %arg6[%mul3A_228] : memref<3128xi32, #tpu.memory_space<vmem>> -> memref<128xi32, #tpu.memory_space<vmem>>
        %dma_wait3A_235 = arith.constant 0 : i32
        %dma_wait3A_236 = arith.constant 0 : i32
        %dma_wait3A_237 = tpu.memref_slice %arg5[%dma_wait3A_235, %dma_wait3A_236] : memref<100x128xf32, #tpu.memory_space<vmem_shared>> -> memref<100x128xf32, #tpu.memory_space<vmem_shared>>
        tpu.wait_indirect_dma semaphore(%arg10 : memref<!tpu.dma_semaphore, #tpu.memory_space<semaphore_mem>>) src(%dma_wait3A_237 : memref<100x128xf32, #tpu.memory_space<vmem_shared>>) dst(%dma_wait3A_233 : memref<128x128xf32, #tpu.memory_space<vmem>>)
        %mul3A_238 = arith.constant 128 : i32
        %mul3A_239 = arith.muli %add3A_226, %mul3A_238 : i32
        %add3A_240 = arith.addi %add3A_15, %mul3A_239 : i32
        %dma_start3A_241 = arith.constant 1 : i32
        %dma_start3A_242 = arith.constant 0 : i32
        %dma_start3A_243 = arith.constant 0 : i32
        %dma_start3A_244 = tpu.memref_slice %arg7[%dma_start3A_241, %dma_start3A_242, %dma_start3A_243] : memref<4x128x128xf32, #tpu.memory_space<vmem>> -> memref<1x128x128xf32, #tpu.memory_space<vmem>>
        %dma_start3A_245 = tpu.memref_squeeze %dma_start3A_244 : memref<1x128x128xf32, #tpu.memory_space<vmem>> -> memref<128x128xf32, #tpu.memory_space<vmem>>
        %dma_start3A_246 = arith.constant 0 : i32
        %dma_start3A_247 = tpu.memref_slice %arg4[%add3A_240, %dma_start3A_246] : memref<100000x128xf32, #tpu.memory_space<hbm>> -> memref<128x128xf32, #tpu.memory_space<hbm>>
        %dma_start3A_248 = arith.constant 0 : i32
        %dma_start3A_249 = tpu.memref_slice %arg4[%add3A_240, %dma_start3A_248] : memref<100000x128xf32, #tpu.memory_space<hbm>> -> memref<128x128xf32, #tpu.memory_space<hbm>>
        %dma_start3A_250 = arith.constant 0 : i32
        %dma_start3A_251 = arith.constant 0 : i32
        %dma_start3A_252 = tpu.memref_slice %arg7[%dma_start3A_241, %dma_start3A_250, %dma_start3A_251] : memref<4x128x128xf32, #tpu.memory_space<vmem>> -> memref<1x128x128xf32, #tpu.memory_space<vmem>>
        %dma_start3A_253 = tpu.memref_squeeze %dma_start3A_252 : memref<1x128x128xf32, #tpu.memory_space<vmem>> -> memref<128x128xf32, #tpu.memory_space<vmem>>
        tpu.enqueue_dma source(%dma_start3A_253 : memref<128x128xf32, #tpu.memory_space<vmem>>) target(%dma_start3A_249 : memref<128x128xf32, #tpu.memory_space<hbm>>) target_semaphore(%arg14 : memref<!tpu.dma_semaphore, #tpu.memory_space<semaphore_mem>>)
        %add3A_254 = arith.constant 4 : i32
        %add3A_255 = arith.addi %add3A_226, %add3A_254 : i32
        %sub3A_256 = arith.constant 1 : i32
        %sub3A_257 = arith.subi %add3A_255, %sub3A_256 : i32
        %lt3A_258 = arith.constant 24 : i32
        %lt3A_259 = arith.cmpi slt, %sub3A_257, %lt3A_258 : i32
        %convert_element_type3A_260 = arith.extui %lt3A_259 : i1 to i32
        %cond3A_261 = arith.constant 0 : i32
        %cond3A_262 = arith.cmpi ne, %convert_element_type3A_260, %cond3A_261 : i32
        scf.if %cond3A_262 {
          %gt3A = arith.constant 0 : i32
          %gt3A_343 = arith.cmpi sgt, %add3A_226, %gt3A : i32
          %convert_element_type3A_344 = arith.extui %gt3A_343 : i1 to i32
          %cond3A_345 = arith.constant 0 : i32
          %cond3A_346 = arith.cmpi ne, %convert_element_type3A_344, %cond3A_345 : i32
          scf.if %cond3A_346 {
            %sub3A_358 = arith.constant 1 : i32
            %sub3A_359 = arith.subi %add3A_226, %sub3A_358 : i32
            %mul3A_360 = arith.constant 128 : i32
            %mul3A_361 = arith.muli %sub3A_359, %mul3A_360 : i32
            %add3A_362 = arith.addi %add3A_15, %mul3A_361 : i32
            %dma_wait3A_363 = arith.constant 0 : i32
            %dma_wait3A_364 = arith.constant 0 : i32
            %dma_wait3A_365 = arith.constant 0 : i32
            %dma_wait3A_366 = tpu.memref_slice %arg7[%dma_wait3A_363, %dma_wait3A_364, %dma_wait3A_365] : memref<4x128x128xf32, #tpu.memory_space<vmem>> -> memref<1x128x128xf32, #tpu.memory_space<vmem>>
            %dma_wait3A_367 = tpu.memref_squeeze %dma_wait3A_366 : memref<1x128x128xf32, #tpu.memory_space<vmem>> -> memref<128x128xf32, #tpu.memory_space<vmem>>
            %dma_wait3A_368 = arith.constant 0 : i32
            %dma_wait3A_369 = tpu.memref_slice %arg4[%add3A_362, %dma_wait3A_368] : memref<100000x128xf32, #tpu.memory_space<hbm>> -> memref<128x128xf32, #tpu.memory_space<hbm>>
            %dma_wait3A_370 = arith.constant 0 : i32
            %dma_wait3A_371 = tpu.memref_slice %arg4[%add3A_362, %dma_wait3A_370] : memref<100000x128xf32, #tpu.memory_space<hbm>> -> memref<128x128xf32, #tpu.memory_space<hbm>>
            %dma_wait3A_372 = arith.constant 0 : i32
            %dma_wait3A_373 = arith.constant 0 : i32
            %dma_wait3A_374 = tpu.memref_slice %arg7[%dma_wait3A_363, %dma_wait3A_372, %dma_wait3A_373] : memref<4x128x128xf32, #tpu.memory_space<vmem>> -> memref<1x128x128xf32, #tpu.memory_space<vmem>>
            %dma_wait3A_375 = tpu.memref_squeeze %dma_wait3A_374 : memref<1x128x128xf32, #tpu.memory_space<vmem>> -> memref<128x128xf32, #tpu.memory_space<vmem>>
            tpu.wait_dma2 semaphore(%arg13 : memref<!tpu.dma_semaphore, #tpu.memory_space<semaphore_mem>>) src(%dma_wait3A_375 : memref<128x128xf32, #tpu.memory_space<vmem>>) dst(%dma_wait3A_371 : memref<128x128xf32, #tpu.memory_space<hbm>>)
          } else {
          }
          %mul3A_347 = arith.constant 128 : i32
          %mul3A_348 = arith.muli %sub3A_257, %mul3A_347 : i32
          %dma_start3A_349 = arith.constant 0 : i32
          %dma_start3A_350 = arith.constant 0 : i32
          %dma_start3A_351 = arith.constant 0 : i32
          %dma_start3A_352 = tpu.memref_slice %arg7[%dma_start3A_349, %dma_start3A_350, %dma_start3A_351] : memref<4x128x128xf32, #tpu.memory_space<vmem>> -> memref<1x128x128xf32, #tpu.memory_space<vmem>>
          %dma_start3A_353 = tpu.memref_squeeze %dma_start3A_352 : memref<1x128x128xf32, #tpu.memory_space<vmem>> -> memref<128x128xf32, #tpu.memory_space<vmem>>
          %dma_start3A_354 = tpu.memref_slice %arg6[%mul3A_348] : memref<3128xi32, #tpu.memory_space<vmem>> -> memref<128xi32, #tpu.memory_space<vmem>>
          %dma_start3A_355 = arith.constant 0 : i32
          %dma_start3A_356 = arith.constant 0 : i32
          %dma_start3A_357 = tpu.memref_slice %arg5[%dma_start3A_355, %dma_start3A_356] : memref<100x128xf32, #tpu.memory_space<vmem_shared>> -> memref<100x128xf32, #tpu.memory_space<vmem_shared>>
          tpu.enqueue_indirect_dma source(%dma_start3A_357 : memref<100x128xf32, #tpu.memory_space<vmem_shared>>) target(%dma_start3A_353 : memref<128x128xf32, #tpu.memory_space<vmem>>) offsets(%dma_start3A_354 : memref<128xi32, #tpu.memory_space<vmem>>) semaphore(%arg9 : memref<!tpu.dma_semaphore, #tpu.memory_space<semaphore_mem>>)
        } else {
        }
        %mul3A_263 = arith.constant 4 : i32
        %mul3A_264 = arith.muli %scan3A_182, %mul3A_263 : i32
        %add3A_265 = arith.constant 2 : i32
        %add3A_266 = arith.addi %mul3A_264, %add3A_265 : i32
        %mul3A_267 = arith.constant 128 : i32
        %mul3A_268 = arith.muli %add3A_266, %mul3A_267 : i32
        %dma_wait3A_269 = arith.constant 2 : i32
        %dma_wait3A_270 = arith.constant 0 : i32
        %dma_wait3A_271 = arith.constant 0 : i32
        %dma_wait3A_272 = tpu.memref_slice %arg7[%dma_wait3A_269, %dma_wait3A_270, %dma_wait3A_271] : memref<4x128x128xf32, #tpu.memory_space<vmem>> -> memref<1x128x128xf32, #tpu.memory_space<vmem>>
        %dma_wait3A_273 = tpu.memref_squeeze %dma_wait3A_272 : memref<1x128x128xf32, #tpu.memory_space<vmem>> -> memref<128x128xf32, #tpu.memory_space<vmem>>
        %dma_wait3A_274 = tpu.memref_slice %arg6[%mul3A_268] : memref<3128xi32, #tpu.memory_space<vmem>> -> memref<128xi32, #tpu.memory_space<vmem>>
        %dma_wait3A_275 = arith.constant 0 : i32
        %dma_wait3A_276 = arith.constant 0 : i32
        %dma_wait3A_277 = tpu.memref_slice %arg5[%dma_wait3A_275, %dma_wait3A_276] : memref<100x128xf32, #tpu.memory_space<vmem_shared>> -> memref<100x128xf32, #tpu.memory_space<vmem_shared>>
        tpu.wait_indirect_dma semaphore(%arg11 : memref<!tpu.dma_semaphore, #tpu.memory_space<semaphore_mem>>) src(%dma_wait3A_277 : memref<100x128xf32, #tpu.memory_space<vmem_shared>>) dst(%dma_wait3A_273 : memref<128x128xf32, #tpu.memory_space<vmem>>)
        %mul3A_278 = arith.constant 128 : i32
        %mul3A_279 = arith.muli %add3A_266, %mul3A_278 : i32
        %add3A_280 = arith.addi %add3A_15, %mul3A_279 : i32
        %dma_start3A_281 = arith.constant 2 : i32
        %dma_start3A_282 = arith.constant 0 : i32
        %dma_start3A_283 = arith.constant 0 : i32
        %dma_start3A_284 = tpu.memref_slice %arg7[%dma_start3A_281, %dma_start3A_282, %dma_start3A_283] : memref<4x128x128xf32, #tpu.memory_space<vmem>> -> memref<1x128x128xf32, #tpu.memory_space<vmem>>
        %dma_start3A_285 = tpu.memref_squeeze %dma_start3A_284 : memref<1x128x128xf32, #tpu.memory_space<vmem>> -> memref<128x128xf32, #tpu.memory_space<vmem>>
        %dma_start3A_286 = arith.constant 0 : i32
        %dma_start3A_287 = tpu.memref_slice %arg4[%add3A_280, %dma_start3A_286] : memref<100000x128xf32, #tpu.memory_space<hbm>> -> memref<128x128xf32, #tpu.memory_space<hbm>>
        %dma_start3A_288 = arith.constant 0 : i32
        %dma_start3A_289 = tpu.memref_slice %arg4[%add3A_280, %dma_start3A_288] : memref<100000x128xf32, #tpu.memory_space<hbm>> -> memref<128x128xf32, #tpu.memory_space<hbm>>
        %dma_start3A_290 = arith.constant 0 : i32
        %dma_start3A_291 = arith.constant 0 : i32
        %dma_start3A_292 = tpu.memref_slice %arg7[%dma_start3A_281, %dma_start3A_290, %dma_start3A_291] : memref<4x128x128xf32, #tpu.memory_space<vmem>> -> memref<1x128x128xf32, #tpu.memory_space<vmem>>
        %dma_start3A_293 = tpu.memref_squeeze %dma_start3A_292 : memref<1x128x128xf32, #tpu.memory_space<vmem>> -> memref<128x128xf32, #tpu.memory_space<vmem>>
        tpu.enqueue_dma source(%dma_start3A_293 : memref<128x128xf32, #tpu.memory_space<vmem>>) target(%dma_start3A_289 : memref<128x128xf32, #tpu.memory_space<hbm>>) target_semaphore(%arg15 : memref<!tpu.dma_semaphore, #tpu.memory_space<semaphore_mem>>)
        %add3A_294 = arith.constant 4 : i32
        %add3A_295 = arith.addi %add3A_266, %add3A_294 : i32
        %sub3A_296 = arith.constant 1 : i32
        %sub3A_297 = arith.subi %add3A_295, %sub3A_296 : i32
        %lt3A_298 = arith.constant 24 : i32
        %lt3A_299 = arith.cmpi slt, %sub3A_297, %lt3A_298 : i32
        %convert_element_type3A_300 = arith.extui %lt3A_299 : i1 to i32
        %cond3A_301 = arith.constant 0 : i32
        %cond3A_302 = arith.cmpi ne, %convert_element_type3A_300, %cond3A_301 : i32
        scf.if %cond3A_302 {
          %gt3A = arith.constant 0 : i32
          %gt3A_343 = arith.cmpi sgt, %add3A_266, %gt3A : i32
          %convert_element_type3A_344 = arith.extui %gt3A_343 : i1 to i32
          %cond3A_345 = arith.constant 0 : i32
          %cond3A_346 = arith.cmpi ne, %convert_element_type3A_344, %cond3A_345 : i32
          scf.if %cond3A_346 {
            %sub3A_358 = arith.constant 1 : i32
            %sub3A_359 = arith.subi %add3A_266, %sub3A_358 : i32
            %mul3A_360 = arith.constant 128 : i32
            %mul3A_361 = arith.muli %sub3A_359, %mul3A_360 : i32
            %add3A_362 = arith.addi %add3A_15, %mul3A_361 : i32
            %dma_wait3A_363 = arith.constant 1 : i32
            %dma_wait3A_364 = arith.constant 0 : i32
            %dma_wait3A_365 = arith.constant 0 : i32
            %dma_wait3A_366 = tpu.memref_slice %arg7[%dma_wait3A_363, %dma_wait3A_364, %dma_wait3A_365] : memref<4x128x128xf32, #tpu.memory_space<vmem>> -> memref<1x128x128xf32, #tpu.memory_space<vmem>>
            %dma_wait3A_367 = tpu.memref_squeeze %dma_wait3A_366 : memref<1x128x128xf32, #tpu.memory_space<vmem>> -> memref<128x128xf32, #tpu.memory_space<vmem>>
            %dma_wait3A_368 = arith.constant 0 : i32
            %dma_wait3A_369 = tpu.memref_slice %arg4[%add3A_362, %dma_wait3A_368] : memref<100000x128xf32, #tpu.memory_space<hbm>> -> memref<128x128xf32, #tpu.memory_space<hbm>>
            %dma_wait3A_370 = arith.constant 0 : i32
            %dma_wait3A_371 = tpu.memref_slice %arg4[%add3A_362, %dma_wait3A_370] : memref<100000x128xf32, #tpu.memory_space<hbm>> -> memref<128x128xf32, #tpu.memory_space<hbm>>
            %dma_wait3A_372 = arith.constant 0 : i32
            %dma_wait3A_373 = arith.constant 0 : i32
            %dma_wait3A_374 = tpu.memref_slice %arg7[%dma_wait3A_363, %dma_wait3A_372, %dma_wait3A_373] : memref<4x128x128xf32, #tpu.memory_space<vmem>> -> memref<1x128x128xf32, #tpu.memory_space<vmem>>
            %dma_wait3A_375 = tpu.memref_squeeze %dma_wait3A_374 : memref<1x128x128xf32, #tpu.memory_space<vmem>> -> memref<128x128xf32, #tpu.memory_space<vmem>>
            tpu.wait_dma2 semaphore(%arg14 : memref<!tpu.dma_semaphore, #tpu.memory_space<semaphore_mem>>) src(%dma_wait3A_375 : memref<128x128xf32, #tpu.memory_space<vmem>>) dst(%dma_wait3A_371 : memref<128x128xf32, #tpu.memory_space<hbm>>)
          } else {
          }
          %mul3A_347 = arith.constant 128 : i32
          %mul3A_348 = arith.muli %sub3A_297, %mul3A_347 : i32
          %dma_start3A_349 = arith.constant 1 : i32
          %dma_start3A_350 = arith.constant 0 : i32
          %dma_start3A_351 = arith.constant 0 : i32
          %dma_start3A_352 = tpu.memref_slice %arg7[%dma_start3A_349, %dma_start3A_350, %dma_start3A_351] : memref<4x128x128xf32, #tpu.memory_space<vmem>> -> memref<1x128x128xf32, #tpu.memory_space<vmem>>
          %dma_start3A_353 = tpu.memref_squeeze %dma_start3A_352 : memref<1x128x128xf32, #tpu.memory_space<vmem>> -> memref<128x128xf32, #tpu.memory_space<vmem>>
          %dma_start3A_354 = tpu.memref_slice %arg6[%mul3A_348] : memref<3128xi32, #tpu.memory_space<vmem>> -> memref<128xi32, #tpu.memory_space<vmem>>
          %dma_start3A_355 = arith.constant 0 : i32
          %dma_start3A_356 = arith.constant 0 : i32
          %dma_start3A_357 = tpu.memref_slice %arg5[%dma_start3A_355, %dma_start3A_356] : memref<100x128xf32, #tpu.memory_space<vmem_shared>> -> memref<100x128xf32, #tpu.memory_space<vmem_shared>>
          tpu.enqueue_indirect_dma source(%dma_start3A_357 : memref<100x128xf32, #tpu.memory_space<vmem_shared>>) target(%dma_start3A_353 : memref<128x128xf32, #tpu.memory_space<vmem>>) offsets(%dma_start3A_354 : memref<128xi32, #tpu.memory_space<vmem>>) semaphore(%arg10 : memref<!tpu.dma_semaphore, #tpu.memory_space<semaphore_mem>>)
        } else {
        }
        %mul3A_303 = arith.constant 4 : i32
        %mul3A_304 = arith.muli %scan3A_182, %mul3A_303 : i32
        %add3A_305 = arith.constant 3 : i32
        %add3A_306 = arith.addi %mul3A_304, %add3A_305 : i32
        %mul3A_307 = arith.constant 128 : i32
        %mul3A_308 = arith.muli %add3A_306, %mul3A_307 : i32
        %dma_wait3A_309 = arith.constant 3 : i32
        %dma_wait3A_310 = arith.constant 0 : i32
        %dma_wait3A_311 = arith.constant 0 : i32
        %dma_wait3A_312 = tpu.memref_slice %arg7[%dma_wait3A_309, %dma_wait3A_310, %dma_wait3A_311] : memref<4x128x128xf32, #tpu.memory_space<vmem>> -> memref<1x128x128xf32, #tpu.memory_space<vmem>>
        %dma_wait3A_313 = tpu.memref_squeeze %dma_wait3A_312 : memref<1x128x128xf32, #tpu.memory_space<vmem>> -> memref<128x128xf32, #tpu.memory_space<vmem>>
        %dma_wait3A_314 = tpu.memref_slice %arg6[%mul3A_308] : memref<3128xi32, #tpu.memory_space<vmem>> -> memref<128xi32, #tpu.memory_space<vmem>>
        %dma_wait3A_315 = arith.constant 0 : i32
        %dma_wait3A_316 = arith.constant 0 : i32
        %dma_wait3A_317 = tpu.memref_slice %arg5[%dma_wait3A_315, %dma_wait3A_316] : memref<100x128xf32, #tpu.memory_space<vmem_shared>> -> memref<100x128xf32, #tpu.memory_space<vmem_shared>>
        tpu.wait_indirect_dma semaphore(%arg12 : memref<!tpu.dma_semaphore, #tpu.memory_space<semaphore_mem>>) src(%dma_wait3A_317 : memref<100x128xf32, #tpu.memory_space<vmem_shared>>) dst(%dma_wait3A_313 : memref<128x128xf32, #tpu.memory_space<vmem>>)
        %mul3A_318 = arith.constant 128 : i32
        %mul3A_319 = arith.muli %add3A_306, %mul3A_318 : i32
        %add3A_320 = arith.addi %add3A_15, %mul3A_319 : i32
        %dma_start3A_321 = arith.constant 3 : i32
        %dma_start3A_322 = arith.constant 0 : i32
        %dma_start3A_323 = arith.constant 0 : i32
        %dma_start3A_324 = tpu.memref_slice %arg7[%dma_start3A_321, %dma_start3A_322, %dma_start3A_323] : memref<4x128x128xf32, #tpu.memory_space<vmem>> -> memref<1x128x128xf32, #tpu.memory_space<vmem>>
        %dma_start3A_325 = tpu.memref_squeeze %dma_start3A_324 : memref<1x128x128xf32, #tpu.memory_space<vmem>> -> memref<128x128xf32, #tpu.memory_space<vmem>>
        %dma_start3A_326 = arith.constant 0 : i32
        %dma_start3A_327 = tpu.memref_slice %arg4[%add3A_320, %dma_start3A_326] : memref<100000x128xf32, #tpu.memory_space<hbm>> -> memref<128x128xf32, #tpu.memory_space<hbm>>
        %dma_start3A_328 = arith.constant 0 : i32
        %dma_start3A_329 = tpu.memref_slice %arg4[%add3A_320, %dma_start3A_328] : memref<100000x128xf32, #tpu.memory_space<hbm>> -> memref<128x128xf32, #tpu.memory_space<hbm>>
        %dma_start3A_330 = arith.constant 0 : i32
        %dma_start3A_331 = arith.constant 0 : i32
        %dma_start3A_332 = tpu.memref_slice %arg7[%dma_start3A_321, %dma_start3A_330, %dma_start3A_331] : memref<4x128x128xf32, #tpu.memory_space<vmem>> -> memref<1x128x128xf32, #tpu.memory_space<vmem>>
        %dma_start3A_333 = tpu.memref_squeeze %dma_start3A_332 : memref<1x128x128xf32, #tpu.memory_space<vmem>> -> memref<128x128xf32, #tpu.memory_space<vmem>>
        tpu.enqueue_dma source(%dma_start3A_333 : memref<128x128xf32, #tpu.memory_space<vmem>>) target(%dma_start3A_329 : memref<128x128xf32, #tpu.memory_space<hbm>>) target_semaphore(%arg16 : memref<!tpu.dma_semaphore, #tpu.memory_space<semaphore_mem>>)
        %add3A_334 = arith.constant 4 : i32
        %add3A_335 = arith.addi %add3A_306, %add3A_334 : i32
        %sub3A_336 = arith.constant 1 : i32
        %sub3A_337 = arith.subi %add3A_335, %sub3A_336 : i32
        %lt3A_338 = arith.constant 24 : i32
        %lt3A_339 = arith.cmpi slt, %sub3A_337, %lt3A_338 : i32
        %convert_element_type3A_340 = arith.extui %lt3A_339 : i1 to i32
        %cond3A_341 = arith.constant 0 : i32
        %cond3A_342 = arith.cmpi ne, %convert_element_type3A_340, %cond3A_341 : i32
        scf.if %cond3A_342 {
          %gt3A = arith.constant 0 : i32
          %gt3A_343 = arith.cmpi sgt, %add3A_306, %gt3A : i32
          %convert_element_type3A_344 = arith.extui %gt3A_343 : i1 to i32
          %cond3A_345 = arith.constant 0 : i32
          %cond3A_346 = arith.cmpi ne, %convert_element_type3A_344, %cond3A_345 : i32
          scf.if %cond3A_346 {
            %sub3A_358 = arith.constant 1 : i32
            %sub3A_359 = arith.subi %add3A_306, %sub3A_358 : i32
            %mul3A_360 = arith.constant 128 : i32
            %mul3A_361 = arith.muli %sub3A_359, %mul3A_360 : i32
            %add3A_362 = arith.addi %add3A_15, %mul3A_361 : i32
            %dma_wait3A_363 = arith.constant 2 : i32
            %dma_wait3A_364 = arith.constant 0 : i32
            %dma_wait3A_365 = arith.constant 0 : i32
            %dma_wait3A_366 = tpu.memref_slice %arg7[%dma_wait3A_363, %dma_wait3A_364, %dma_wait3A_365] : memref<4x128x128xf32, #tpu.memory_space<vmem>> -> memref<1x128x128xf32, #tpu.memory_space<vmem>>
            %dma_wait3A_367 = tpu.memref_squeeze %dma_wait3A_366 : memref<1x128x128xf32, #tpu.memory_space<vmem>> -> memref<128x128xf32, #tpu.memory_space<vmem>>
            %dma_wait3A_368 = arith.constant 0 : i32
            %dma_wait3A_369 = tpu.memref_slice %arg4[%add3A_362, %dma_wait3A_368] : memref<100000x128xf32, #tpu.memory_space<hbm>> -> memref<128x128xf32, #tpu.memory_space<hbm>>
            %dma_wait3A_370 = arith.constant 0 : i32
            %dma_wait3A_371 = tpu.memref_slice %arg4[%add3A_362, %dma_wait3A_370] : memref<100000x128xf32, #tpu.memory_space<hbm>> -> memref<128x128xf32, #tpu.memory_space<hbm>>
            %dma_wait3A_372 = arith.constant 0 : i32
            %dma_wait3A_373 = arith.constant 0 : i32
            %dma_wait3A_374 = tpu.memref_slice %arg7[%dma_wait3A_363, %dma_wait3A_372, %dma_wait3A_373] : memref<4x128x128xf32, #tpu.memory_space<vmem>> -> memref<1x128x128xf32, #tpu.memory_space<vmem>>
            %dma_wait3A_375 = tpu.memref_squeeze %dma_wait3A_374 : memref<1x128x128xf32, #tpu.memory_space<vmem>> -> memref<128x128xf32, #tpu.memory_space<vmem>>
            tpu.wait_dma2 semaphore(%arg15 : memref<!tpu.dma_semaphore, #tpu.memory_space<semaphore_mem>>) src(%dma_wait3A_375 : memref<128x128xf32, #tpu.memory_space<vmem>>) dst(%dma_wait3A_371 : memref<128x128xf32, #tpu.memory_space<hbm>>)
          } else {
          }
          %mul3A_347 = arith.constant 128 : i32
          %mul3A_348 = arith.muli %sub3A_337, %mul3A_347 : i32
          %dma_start3A_349 = arith.constant 2 : i32
          %dma_start3A_350 = arith.constant 0 : i32
          %dma_start3A_351 = arith.constant 0 : i32
          %dma_start3A_352 = tpu.memref_slice %arg7[%dma_start3A_349, %dma_start3A_350, %dma_start3A_351] : memref<4x128x128xf32, #tpu.memory_space<vmem>> -> memref<1x128x128xf32, #tpu.memory_space<vmem>>
          %dma_start3A_353 = tpu.memref_squeeze %dma_start3A_352 : memref<1x128x128xf32, #tpu.memory_space<vmem>> -> memref<128x128xf32, #tpu.memory_space<vmem>>
          %dma_start3A_354 = tpu.memref_slice %arg6[%mul3A_348] : memref<3128xi32, #tpu.memory_space<vmem>> -> memref<128xi32, #tpu.memory_space<vmem>>
          %dma_start3A_355 = arith.constant 0 : i32
          %dma_start3A_356 = arith.constant 0 : i32
          %dma_start3A_357 = tpu.memref_slice %arg5[%dma_start3A_355, %dma_start3A_356] : memref<100x128xf32, #tpu.memory_space<vmem_shared>> -> memref<100x128xf32, #tpu.memory_space<vmem_shared>>
          tpu.enqueue_indirect_dma source(%dma_start3A_357 : memref<100x128xf32, #tpu.memory_space<vmem_shared>>) target(%dma_start3A_353 : memref<128x128xf32, #tpu.memory_space<vmem>>) offsets(%dma_start3A_354 : memref<128xi32, #tpu.memory_space<vmem>>) semaphore(%arg11 : memref<!tpu.dma_semaphore, #tpu.memory_space<semaphore_mem>>)
        } else {
        }
      }
      %scan3A_54 = arith.constant 6 : i32
      %add3A_55 = arith.constant 2560 : i32
      %add3A_56 = arith.addi %add3A_15, %add3A_55 : i32
      %dma_wait3A = arith.constant 0 : i32
      %dma_wait3A_57 = arith.constant 0 : i32
      %dma_wait3A_58 = arith.constant 0 : i32
      %dma_wait3A_59 = tpu.memref_slice %arg7[%dma_wait3A, %dma_wait3A_57, %dma_wait3A_58] : memref<4x128x128xf32, #tpu.memory_space<vmem>> -> memref<1x128x128xf32, #tpu.memory_space<vmem>>
      %dma_wait3A_60 = tpu.memref_squeeze %dma_wait3A_59 : memref<1x128x128xf32, #tpu.memory_space<vmem>> -> memref<128x128xf32, #tpu.memory_space<vmem>>
      %dma_wait3A_61 = arith.constant 0 : i32
      %dma_wait3A_62 = tpu.memref_slice %arg4[%add3A_56, %dma_wait3A_61] : memref<100000x128xf32, #tpu.memory_space<hbm>> -> memref<128x128xf32, #tpu.memory_space<hbm>>
      %dma_wait3A_63 = arith.constant 0 : i32
      %dma_wait3A_64 = tpu.memref_slice %arg4[%add3A_56, %dma_wait3A_63] : memref<100000x128xf32, #tpu.memory_space<hbm>> -> memref<128x128xf32, #tpu.memory_space<hbm>>
      %dma_wait3A_65 = arith.constant 0 : i32
      %dma_wait3A_66 = arith.constant 0 : i32
      %dma_wait3A_67 = tpu.memref_slice %arg7[%dma_wait3A, %dma_wait3A_65, %dma_wait3A_66] : memref<4x128x128xf32, #tpu.memory_space<vmem>> -> memref<1x128x128xf32, #tpu.memory_space<vmem>>
      %dma_wait3A_68 = tpu.memref_squeeze %dma_wait3A_67 : memref<1x128x128xf32, #tpu.memory_space<vmem>> -> memref<128x128xf32, #tpu.memory_space<vmem>>
      tpu.wait_dma2 semaphore(%arg13 : memref<!tpu.dma_semaphore, #tpu.memory_space<semaphore_mem>>) src(%dma_wait3A_68 : memref<128x128xf32, #tpu.memory_space<vmem>>) dst(%dma_wait3A_64 : memref<128x128xf32, #tpu.memory_space<hbm>>)
      %dma_start3A_69 = arith.constant 0 : i32
      %dma_start3A_70 = arith.constant 0 : i32
      %dma_start3A_71 = arith.constant 0 : i32
      %dma_start3A_72 = tpu.memref_slice %arg7[%dma_start3A_69, %dma_start3A_70, %dma_start3A_71] : memref<4x128x128xf32, #tpu.memory_space<vmem>> -> memref<1x128x128xf32, #tpu.memory_space<vmem>>
      %dma_start3A_73 = tpu.memref_squeeze %dma_start3A_72 : memref<1x128x128xf32, #tpu.memory_space<vmem>> -> memref<128x128xf32, #tpu.memory_space<vmem>>
      %dma_start3A_74 = arith.constant 0 : i32
      %dma_start3A_75 = arith.constant 0 : i32
      %dma_start3A_76 = tpu.memref_slice %dma_start3A_73[%dma_start3A_74, %dma_start3A_75] : memref<128x128xf32, #tpu.memory_space<vmem>> -> memref<48x128xf32, #tpu.memory_space<vmem>>
      %dma_start3A_77 = arith.constant 3072 : i32
      %dma_start3A_78 = tpu.memref_slice %arg6[%dma_start3A_77] : memref<3128xi32, #tpu.memory_space<vmem>> -> memref<48xi32, #tpu.memory_space<vmem>>
      %dma_start3A_79 = arith.constant 0 : i32
      %dma_start3A_80 = arith.constant 0 : i32
      %dma_start3A_81 = tpu.memref_slice %arg5[%dma_start3A_79, %dma_start3A_80] : memref<100x128xf32, #tpu.memory_space<vmem_shared>> -> memref<100x128xf32, #tpu.memory_space<vmem_shared>>
      tpu.enqueue_indirect_dma source(%dma_start3A_81 : memref<100x128xf32, #tpu.memory_space<vmem_shared>>) target(%dma_start3A_76 : memref<48x128xf32, #tpu.memory_space<vmem>>) offsets(%dma_start3A_78 : memref<48xi32, #tpu.memory_space<vmem>>) semaphore(%arg9 : memref<!tpu.dma_semaphore, #tpu.memory_space<semaphore_mem>>)
      %dma_wait3A_82 = arith.constant 0 : i32
      %dma_wait3A_83 = arith.constant 0 : i32
      %dma_wait3A_84 = arith.constant 0 : i32
      %dma_wait3A_85 = tpu.memref_slice %arg7[%dma_wait3A_82, %dma_wait3A_83, %dma_wait3A_84] : memref<4x128x128xf32, #tpu.memory_space<vmem>> -> memref<1x128x128xf32, #tpu.memory_space<vmem>>
      %dma_wait3A_86 = tpu.memref_squeeze %dma_wait3A_85 : memref<1x128x128xf32, #tpu.memory_space<vmem>> -> memref<128x128xf32, #tpu.memory_space<vmem>>
      %dma_wait3A_87 = arith.constant 0 : i32
      %dma_wait3A_88 = arith.constant 0 : i32
      %dma_wait3A_89 = tpu.memref_slice %dma_wait3A_86[%dma_wait3A_87, %dma_wait3A_88] : memref<128x128xf32, #tpu.memory_space<vmem>> -> memref<48x128xf32, #tpu.memory_space<vmem>>
      %dma_wait3A_90 = arith.constant 3072 : i32
      %dma_wait3A_91 = tpu.memref_slice %arg6[%dma_wait3A_90] : memref<3128xi32, #tpu.memory_space<vmem>> -> memref<48xi32, #tpu.memory_space<vmem>>
      %dma_wait3A_92 = arith.constant 0 : i32
      %dma_wait3A_93 = arith.constant 0 : i32
      %dma_wait3A_94 = tpu.memref_slice %arg5[%dma_wait3A_92, %dma_wait3A_93] : memref<100x128xf32, #tpu.memory_space<vmem_shared>> -> memref<100x128xf32, #tpu.memory_space<vmem_shared>>
      tpu.wait_indirect_dma semaphore(%arg9 : memref<!tpu.dma_semaphore, #tpu.memory_space<semaphore_mem>>) src(%dma_wait3A_94 : memref<100x128xf32, #tpu.memory_space<vmem_shared>>) dst(%dma_wait3A_89 : memref<48x128xf32, #tpu.memory_space<vmem>>)
      %add3A_95 = arith.constant 3072 : i32
      %add3A_96 = arith.addi %add3A_15, %add3A_95 : i32
      %dma_start3A_97 = arith.constant 0 : i32
      %dma_start3A_98 = arith.constant 0 : i32
      %dma_start3A_99 = arith.constant 0 : i32
      %dma_start3A_100 = tpu.memref_slice %arg7[%dma_start3A_97, %dma_start3A_98, %dma_start3A_99] : memref<4x128x128xf32, #tpu.memory_space<vmem>> -> memref<1x128x128xf32, #tpu.memory_space<vmem>>
      %dma_start3A_101 = tpu.memref_squeeze %dma_start3A_100 : memref<1x128x128xf32, #tpu.memory_space<vmem>> -> memref<128x128xf32, #tpu.memory_space<vmem>>
      %dma_start3A_102 = arith.constant 0 : i32
      %dma_start3A_103 = arith.constant 0 : i32
      %dma_start3A_104 = tpu.memref_slice %dma_start3A_101[%dma_start3A_102, %dma_start3A_103] : memref<128x128xf32, #tpu.memory_space<vmem>> -> memref<48x128xf32, #tpu.memory_space<vmem>>
      %dma_start3A_105 = arith.constant 0 : i32
      %dma_start3A_106 = tpu.memref_slice %arg4[%add3A_96, %dma_start3A_105] : memref<100000x128xf32, #tpu.memory_space<hbm>> -> memref<48x128xf32, #tpu.memory_space<hbm>>
      %dma_start3A_107 = arith.constant 0 : i32
      %dma_start3A_108 = tpu.memref_slice %arg4[%add3A_96, %dma_start3A_107] : memref<100000x128xf32, #tpu.memory_space<hbm>> -> memref<48x128xf32, #tpu.memory_space<hbm>>
      %dma_start3A_109 = arith.constant 0 : i32
      %dma_start3A_110 = arith.constant 0 : i32
      %dma_start3A_111 = tpu.memref_slice %arg7[%dma_start3A_97, %dma_start3A_109, %dma_start3A_110] : memref<4x128x128xf32, #tpu.memory_space<vmem>> -> memref<1x128x128xf32, #tpu.memory_space<vmem>>
      %dma_start3A_112 = tpu.memref_squeeze %dma_start3A_111 : memref<1x128x128xf32, #tpu.memory_space<vmem>> -> memref<128x128xf32, #tpu.memory_space<vmem>>
      %dma_start3A_113 = arith.constant 0 : i32
      %dma_start3A_114 = arith.constant 0 : i32
      %dma_start3A_115 = tpu.memref_slice %dma_start3A_112[%dma_start3A_113, %dma_start3A_114] : memref<128x128xf32, #tpu.memory_space<vmem>> -> memref<48x128xf32, #tpu.memory_space<vmem>>
      tpu.enqueue_dma source(%dma_start3A_115 : memref<48x128xf32, #tpu.memory_space<vmem>>) target(%dma_start3A_108 : memref<48x128xf32, #tpu.memory_space<hbm>>) target_semaphore(%arg13 : memref<!tpu.dma_semaphore, #tpu.memory_space<semaphore_mem>>)
      %add3A_116 = arith.constant 2688 : i32
      %add3A_117 = arith.addi %add3A_15, %add3A_116 : i32
      %dma_wait3A_118 = arith.constant 1 : i32
      %dma_wait3A_119 = arith.constant 0 : i32
      %dma_wait3A_120 = arith.constant 0 : i32
      %dma_wait3A_121 = tpu.memref_slice %arg7[%dma_wait3A_118, %dma_wait3A_119, %dma_wait3A_120] : memref<4x128x128xf32, #tpu.memory_space<vmem>> -> memref<1x128x128xf32, #tpu.memory_space<vmem>>
      %dma_wait3A_122 = tpu.memref_squeeze %dma_wait3A_121 : memref<1x128x128xf32, #tpu.memory_space<vmem>> -> memref<128x128xf32, #tpu.memory_space<vmem>>
      %dma_wait3A_123 = arith.constant 0 : i32
      %dma_wait3A_124 = tpu.memref_slice %arg4[%add3A_117, %dma_wait3A_123] : memref<100000x128xf32, #tpu.memory_space<hbm>> -> memref<128x128xf32, #tpu.memory_space<hbm>>
      %dma_wait3A_125 = arith.constant 0 : i32
      %dma_wait3A_126 = tpu.memref_slice %arg4[%add3A_117, %dma_wait3A_125] : memref<100000x128xf32, #tpu.memory_space<hbm>> -> memref<128x128xf32, #tpu.memory_space<hbm>>
      %dma_wait3A_127 = arith.constant 0 : i32
      %dma_wait3A_128 = arith.constant 0 : i32
      %dma_wait3A_129 = tpu.memref_slice %arg7[%dma_wait3A_118, %dma_wait3A_127, %dma_wait3A_128] : memref<4x128x128xf32, #tpu.memory_space<vmem>> -> memref<1x128x128xf32, #tpu.memory_space<vmem>>
      %dma_wait3A_130 = tpu.memref_squeeze %dma_wait3A_129 : memref<1x128x128xf32, #tpu.memory_space<vmem>> -> memref<128x128xf32, #tpu.memory_space<vmem>>
      tpu.wait_dma2 semaphore(%arg14 : memref<!tpu.dma_semaphore, #tpu.memory_space<semaphore_mem>>) src(%dma_wait3A_130 : memref<128x128xf32, #tpu.memory_space<vmem>>) dst(%dma_wait3A_126 : memref<128x128xf32, #tpu.memory_space<hbm>>)
      %add3A_131 = arith.constant 2816 : i32
      %add3A_132 = arith.addi %add3A_15, %add3A_131 : i32
      %dma_wait3A_133 = arith.constant 2 : i32
      %dma_wait3A_134 = arith.constant 0 : i32
      %dma_wait3A_135 = arith.constant 0 : i32
      %dma_wait3A_136 = tpu.memref_slice %arg7[%dma_wait3A_133, %dma_wait3A_134, %dma_wait3A_135] : memref<4x128x128xf32, #tpu.memory_space<vmem>> -> memref<1x128x128xf32, #tpu.memory_space<vmem>>
      %dma_wait3A_137 = tpu.memref_squeeze %dma_wait3A_136 : memref<1x128x128xf32, #tpu.memory_space<vmem>> -> memref<128x128xf32, #tpu.memory_space<vmem>>
      %dma_wait3A_138 = arith.constant 0 : i32
      %dma_wait3A_139 = tpu.memref_slice %arg4[%add3A_132, %dma_wait3A_138] : memref<100000x128xf32, #tpu.memory_space<hbm>> -> memref<128x128xf32, #tpu.memory_space<hbm>>
      %dma_wait3A_140 = arith.constant 0 : i32
      %dma_wait3A_141 = tpu.memref_slice %arg4[%add3A_132, %dma_wait3A_140] : memref<100000x128xf32, #tpu.memory_space<hbm>> -> memref<128x128xf32, #tpu.memory_space<hbm>>
      %dma_wait3A_142 = arith.constant 0 : i32
      %dma_wait3A_143 = arith.constant 0 : i32
      %dma_wait3A_144 = tpu.memref_slice %arg7[%dma_wait3A_133, %dma_wait3A_142, %dma_wait3A_143] : memref<4x128x128xf32, #tpu.memory_space<vmem>> -> memref<1x128x128xf32, #tpu.memory_space<vmem>>
      %dma_wait3A_145 = tpu.memref_squeeze %dma_wait3A_144 : memref<1x128x128xf32, #tpu.memory_space<vmem>> -> memref<128x128xf32, #tpu.memory_space<vmem>>
      tpu.wait_dma2 semaphore(%arg15 : memref<!tpu.dma_semaphore, #tpu.memory_space<semaphore_mem>>) src(%dma_wait3A_145 : memref<128x128xf32, #tpu.memory_space<vmem>>) dst(%dma_wait3A_141 : memref<128x128xf32, #tpu.memory_space<hbm>>)
      %add3A_146 = arith.constant 2944 : i32
      %add3A_147 = arith.addi %add3A_15, %add3A_146 : i32
      %dma_wait3A_148 = arith.constant 3 : i32
      %dma_wait3A_149 = arith.constant 0 : i32
      %dma_wait3A_150 = arith.constant 0 : i32
      %dma_wait3A_151 = tpu.memref_slice %arg7[%dma_wait3A_148, %dma_wait3A_149, %dma_wait3A_150] : memref<4x128x128xf32, #tpu.memory_space<vmem>> -> memref<1x128x128xf32, #tpu.memory_space<vmem>>
      %dma_wait3A_152 = tpu.memref_squeeze %dma_wait3A_151 : memref<1x128x128xf32, #tpu.memory_space<vmem>> -> memref<128x128xf32, #tpu.memory_space<vmem>>
      %dma_wait3A_153 = arith.constant 0 : i32
      %dma_wait3A_154 = tpu.memref_slice %arg4[%add3A_147, %dma_wait3A_153] : memref<100000x128xf32, #tpu.memory_space<hbm>> -> memref<128x128xf32, #tpu.memory_space<hbm>>
      %dma_wait3A_155 = arith.constant 0 : i32
      %dma_wait3A_156 = tpu.memref_slice %arg4[%add3A_147, %dma_wait3A_155] : memref<100000x128xf32, #tpu.memory_space<hbm>> -> memref<128x128xf32, #tpu.memory_space<hbm>>
      %dma_wait3A_157 = arith.constant 0 : i32
      %dma_wait3A_158 = arith.constant 0 : i32
      %dma_wait3A_159 = tpu.memref_slice %arg7[%dma_wait3A_148, %dma_wait3A_157, %dma_wait3A_158] : memref<4x128x128xf32, #tpu.memory_space<vmem>> -> memref<1x128x128xf32, #tpu.memory_space<vmem>>
      %dma_wait3A_160 = tpu.memref_squeeze %dma_wait3A_159 : memref<1x128x128xf32, #tpu.memory_space<vmem>> -> memref<128x128xf32, #tpu.memory_space<vmem>>
      tpu.wait_dma2 semaphore(%arg16 : memref<!tpu.dma_semaphore, #tpu.memory_space<semaphore_mem>>) src(%dma_wait3A_160 : memref<128x128xf32, #tpu.memory_space<vmem>>) dst(%dma_wait3A_156 : memref<128x128xf32, #tpu.memory_space<hbm>>)
      %add3A_161 = arith.constant 3072 : i32
      %add3A_162 = arith.addi %add3A_15, %add3A_161 : i32
      %dma_wait3A_163 = arith.constant 0 : i32
      %dma_wait3A_164 = arith.constant 0 : i32
      %dma_wait3A_165 = arith.constant 0 : i32
      %dma_wait3A_166 = tpu.memref_slice %arg7[%dma_wait3A_163, %dma_wait3A_164, %dma_wait3A_165] : memref<4x128x128xf32, #tpu.memory_space<vmem>> -> memref<1x128x128xf32, #tpu.memory_space<vmem>>
      %dma_wait3A_167 = tpu.memref_squeeze %dma_wait3A_166 : memref<1x128x128xf32, #tpu.memory_space<vmem>> -> memref<128x128xf32, #tpu.memory_space<vmem>>
      %dma_wait3A_168 = arith.constant 0 : i32
      %dma_wait3A_169 = arith.constant 0 : i32
      %dma_wait3A_170 = tpu.memref_slice %dma_wait3A_167[%dma_wait3A_168, %dma_wait3A_169] : memref<128x128xf32, #tpu.memory_space<vmem>> -> memref<48x128xf32, #tpu.memory_space<vmem>>
      %dma_wait3A_171 = arith.constant 0 : i32
      %dma_wait3A_172 = tpu.memref_slice %arg4[%add3A_162, %dma_wait3A_171] : memref<100000x128xf32, #tpu.memory_space<hbm>> -> memref<48x128xf32, #tpu.memory_space<hbm>>
      %dma_wait3A_173 = arith.constant 0 : i32
      %dma_wait3A_174 = tpu.memref_slice %arg4[%add3A_162, %dma_wait3A_173] : memref<100000x128xf32, #tpu.memory_space<hbm>> -> memref<48x128xf32, #tpu.memory_space<hbm>>
      %dma_wait3A_175 = arith.constant 0 : i32
      %dma_wait3A_176 = arith.constant 0 : i32
      %dma_wait3A_177 = tpu.memref_slice %arg7[%dma_wait3A_163, %dma_wait3A_175, %dma_wait3A_176] : memref<4x128x128xf32, #tpu.memory_space<vmem>> -> memref<1x128x128xf32, #tpu.memory_space<vmem>>
      %dma_wait3A_178 = tpu.memref_squeeze %dma_wait3A_177 : memref<1x128x128xf32, #tpu.memory_space<vmem>> -> memref<128x128xf32, #tpu.memory_space<vmem>>
      %dma_wait3A_179 = arith.constant 0 : i32
      %dma_wait3A_180 = arith.constant 0 : i32
      %dma_wait3A_181 = tpu.memref_slice %dma_wait3A_178[%dma_wait3A_179, %dma_wait3A_180] : memref<128x128xf32, #tpu.memory_space<vmem>> -> memref<48x128xf32, #tpu.memory_space<vmem>>
      tpu.wait_dma2 semaphore(%arg13 : memref<!tpu.dma_semaphore, #tpu.memory_space<semaphore_mem>>) src(%dma_wait3A_181 : memref<48x128xf32, #tpu.memory_space<vmem>>) dst(%dma_wait3A_174 : memref<48x128xf32, #tpu.memory_space<hbm>>)
    } else {
    }
    return
  }
}

module attributes {stable_mosaic.version = 14 : i64} {
  func.func @_proj_body(%arg0: memref<100x128xf32, #tpu.memory_space<vmem>>, %arg1: memref<128x128xf32, #tpu.memory_space<vmem>>, %arg2: memref<1x128xf32, #tpu.memory_space<vmem>>, %arg3: memref<100x128xf32, #tpu.memory_space<vmem>>) attributes {dimension_semantics = [], scalar_prefetch = 0 : i64, scratch_operands = 0 : i64, tpu.core_type = #tpu.core_type<tc>} {
    %get3A = arith.constant 0 : index
    %get3A_0 = arith.constant 0 : index
    %get3A_1 = vector.load %arg0[%get3A, %get3A_0] : memref<100x128xf32, #tpu.memory_space<vmem>>, vector<100x128xf32>
    %get3A_2 = arith.constant 0 : index
    %get3A_3 = arith.constant 0 : index
    %get3A_4 = vector.load %arg1[%get3A_2, %get3A_3] : memref<128x128xf32, #tpu.memory_space<vmem>>, vector<128x128xf32>
    %dot_general3A = arith.constant dense<0.000000e+00> : vector<100x128xf32>
    %dot_general3A_5 = tpu.matmul %get3A_1, %get3A_4, %dot_general3A {dimension_numbers = #tpu.dot_dimension_numbers<[1], [1], [0], [0], [0, 0, 1, 0], [], []>, precision = #tpu.contract_precision<fp32>, transpose_lhs_hint = false} : vector<100x128xf32>, vector<128x128xf32>, vector<100x128xf32> -> vector<100x128xf32>
    %get3A_6 = arith.constant 0 : index
    %get3A_7 = arith.constant 0 : index
    %get3A_8 = vector.load %arg2[%get3A_6, %get3A_7] : memref<1x128xf32, #tpu.memory_space<vmem>>, vector<1x128xf32>
    %add3A = vector.broadcast %get3A_8 : vector<1x128xf32> to vector<100x128xf32>
    %add3A_9 = arith.addf %dot_general3A_5, %add3A : vector<100x128xf32>
    %swap3A = arith.constant 0 : index
    %swap3A_10 = arith.constant 0 : index
    %swap3A_11 = vector.load %arg3[%swap3A, %swap3A_10] : memref<100x128xf32, #tpu.memory_space<vmem>>, vector<100x128xf32>
    tpu.vector_store %arg3[%swap3A, %swap3A_10], %add3A_9 {strides = array<i32>} : memref<100x128xf32, #tpu.memory_space<vmem>>, vector<100x128xf32>,
    return
  }
}

</mosaic_0001>

<sc_bundles>
// kernel: kernel.4.cloned.1.call-start
scs
__scs_entry_jumppad:
0x0: {  	(pc) =	sbr.rel $0x88, $3  }
0x1: {  	(tag) =	ssettag $0x0;
	lr =	simm.s32 $0x1  }
0x2: {  	[smem:$0x3F9D] =	sst lr;
	_ =	strace $0xD0000000  }
0x3: {  	_ = 	snop  }
0x4: {  	_ = 	snop  }
0x5: {  	_ = 	snop  }
0x6: {  	_ = 	snop  }
0x7: {  	_ = 	snop  }
__scs_overlays_trampoline_lowered:
0x8: {  	[smem:$0x3FAC] =	sst s0  }
0x9: {  	[smem:$0x3FAD] =	sst s1  }
0xa: {  	[smem:$0x3FAE] =	sst s2  }
0xb: {  	[smem:$0x3FAF] =	sst s3  }
0xc: {  	[smem:$0x3FB0] =	sst s4  }
0xd: {  	[smem:$0x3FB1] =	sst s5  }
0xe: {  	[smem:$0x3FB2] =	sst s6  }
0xf: {  	[smem:$0x3FB3] =	sst s7  }
0x10: {  	[smem:$0x3FB4] =	sst s8  }
0x11: {  	[smem:$0x3FB5] =	sst s9;
	s0 =	simm.s32 @!p0 $0x0  }
0x12: {  	s1 =	sld [smem:$0x3F9B];
	s0 =	simm.s32 @p0 $0x1  }
0x13: {  	[smem:$0x3FB6] =	sst s0;
	s0 =	simm.s32 @!p1 $0x0  }
0x14: {  	s2 =	sld [smem:$0x3F9A];
	s0 =	simm.s32 @p1 $0x1  }
0x15: {  	[smem:$0x3FB7] =	sst s0;
	s0 =	simm.s32 @!p2 $0x0  }
0x16: {  	s3 =	sld [smem:$0x3FDB];
	s0 =	simm.s32 @p2 $0x1  }
0x17: {  	s4 =	simm.s32 $0x1BF5;
	[smem:$0x3FB9] =	sst s0  }
0x18: {  	s0 =	sld [smem:$0x3F9C];
	_ =	swait.ge [sflag:s4], $0x0  }
0x19: {  	s7 =	sld [smem:$0x3F9D]  }
0x1a: {  	s8 =	sadd.s32 $0xFFFFE003, lr  }
0x1b: {  	s9 =	sadd.s32 $0xFFFFFEF7, lr;
	s5 =	simm.s32 $0xFFFFFFFF;
	p2 =	slt.u32 s8, $0xFFFFF086  }
0x1c: {  	p1 =	slt.u32 s9, $0xF7A;
	s5 =	simm.s32 @!p2 $0x0  }
0x1d: {  	s5 =	simm.s32 @p1 $0x1;
	p0 =	seq.s32 s7, s2  }
0x1e: {  	s7 =	smul.u32 @!p0 $0xF7A, s2;
	p2 =	seq.s32 @!p0 s5, $0x0  }
0x1f: {  	s9 =	smul.u32 $0xF7A, s1;
	s8 =	simm.s32 @!p0 $0x1BF5;
	p2 =	por !p2, p0  }
0x20: {  	[sflag:s8] =	ssyncset.s32 @!p0 $0xFFFFF086;
	s6 =	sadd.s32 @!p0 s3, s7;
	s7 =	simm.s32 @!p0 $0x108  }
0x21: {  	s3 =	sadd.s32 s3, s9;
	s6 =	sadd.s32 @!p0 $0x88, s6;
	s7 =	simm.s32 @p2 $0x1082  }
0x22: {  	[simem:s7], [sflag:s8] =	dma.local @!p0 [hbm:s6], $0xF7A  }
0x23: {  	s9 =	sor.u32 $0xD0000000, s2;
	s6 =	simm.s32 $0x108;
	_ =	swait.ge @!p0 [sflag:s8], $0x0  }
0x24: {  	s3 =	sadd.s32 $0x88, s3;
	s6 =	simm.s32 @!p1 $0x1082;
	[sflag:s4] =	ssyncset.s32 $0xFFFFF086  }
0x25: {  	[simem:s6], [sflag:s4] =	dma.local [hbm:s3], $0xF7A  }
0x26: {  	[smem:$0x3F9D] =	sst s1;
	(tag) =	ssettag s2;
	_ =	strace s9  }
0x27: {  	s1 =	sld [smem:$0x3FAD]  }
0x28: {  	s2 =	sld [smem:$0x3FAE]  }
0x29: {  	s4 =	sld [smem:$0x3FB0]  }
0x2a: {  	p0 =	seq.s32 s5, $0x0;
	s5 =	sld [smem:$0x3FB1]  }
0x2b: {  	s6 =	sld [smem:$0x3FB2]  }
0x2c: {  	s7 =	sld [smem:$0x3FB3]  }
0x2d: {  	s3 =	simm.s32 $0x108;
	s8 =	sld [smem:$0x3FB4]  }
0x2e: {  	s3 =	simm.s32 @!p0 $0x1082;
	s9 =	sld [smem:$0x3FB5]  }
0x2f: {  	lr =	sadd.s32 s0, s3;
	s0 =	sld [smem:$0x3FAC]  }
0x30: {  	s3 =	sld [smem:$0x3FAF]  }
0x31: {  	[smem:$0x3FB8] =	sst s10  }
0x32: {  	s10 =	sld [smem:$0x3FB6];
	_ =	sdelay $0x3  }
0x33: {  	p0 =	seq.s32 s10, $0x1;
	s10 =	sld [smem:$0x3FB8];
	_ =	sdelay $0x3  }
0x34: {  	[smem:$0x3FB8] =	sst s10  }
0x35: {  	s10 =	sld [smem:$0x3FB7];
	_ =	sdelay $0x3  }
0x36: {  	p1 =	seq.s32 s10, $0x1;
	s10 =	sld [smem:$0x3FB8];
	_ =	sdelay $0x3  }
0x37: {  	[smem:$0x3FB8] =	sst s10  }
0x38: {  	s10 =	sld [smem:$0x3FB9]  }
0x39: {  	_ = 	snop;
	(pc) =	sbr.ind lr, $3  }
0x3a: {  	_ = 	snop  }
0x3b: {  	_ = 	snop  }
0x3c: {  	p2 =	seq.s32 s10, $0x1;
	s10 =	sld [smem:$0x3FB8]  }
0x3d: {  	_ =	shalt  }
0x3e: {  	_ =	shalt  }
0x3f: {  	_ =	shalt  }
0x40: {  	_ =	shalt  }
0x41: {  	_ =	shalt  }
0x42: {  	_ =	shalt  }
0x43: {  	_ =	shalt  }
0x44: {  	_ =	shalt  }
0x45: {  	_ =	shalt  }
0x46: {  	_ =	shalt  }
0x47: {  	_ =	shalt  }
0x48: {  	_ =	shalt  }
0x49: {  	_ =	shalt  }
0x4a: {  	_ =	shalt  }
0x4b: {  	_ =	shalt  }
0x4c: {  	_ =	shalt  }
0x4d: {  	_ =	shalt  }
0x4e: {  	_ =	shalt  }
0x4f: {  	_ =	shalt  }
0x50: {  	_ =	shalt  }
0x51: {  	_ =	shalt  }
0x52: {  	_ =	shalt  }
0x53: {  	_ =	shalt  }
0x54: {  	_ =	shalt  }
0x55: {  	_ =	shalt  }
0x56: {  	_ =	shalt  }
0x57: {  	_ =	shalt  }
0x58: {  	_ =	shalt  }
0x59: {  	_ =	shalt  }
0x5a: {  	_ =	shalt  }
0x5b: {  	_ =	shalt  }
0x5c: {  	_ =	shalt  }
0x5d: {  	_ =	shalt  }
0x5e: {  	_ =	shalt  }
0x5f: {  	_ =	shalt  }
0x60: {  	_ =	shalt  }
0x61: {  	_ =	shalt  }
0x62: {  	_ =	shalt  }
0x63: {  	_ =	shalt  }
0x64: {  	_ =	shalt  }
0x65: {  	_ =	shalt  }
0x66: {  	_ =	shalt  }
0x67: {  	_ =	shalt  }
0x68: {  	_ =	shalt  }
0x69: {  	_ =	shalt  }
0x6a: {  	_ =	shalt  }
0x6b: {  	_ =	shalt  }
0x6c: {  	_ =	shalt  }
0x6d: {  	_ =	shalt  }
0x6e: {  	_ =	shalt  }
0x6f: {  	_ =	shalt  }
0x70: {  	_ =	shalt  }
0x71: {  	_ =	shalt  }
0x72: {  	_ =	shalt  }
0x73: {  	_ =	shalt  }
0x74: {  	_ =	shalt  }
0x75: {  	_ =	shalt  }
0x76: {  	_ =	shalt  }
0x77: {  	_ =	shalt  }
0x78: {  	_ =	shalt  }
0x79: {  	_ =	shalt  }
0x7a: {  	_ =	shalt  }
0x7b: {  	_ =	shalt  }
0x7c: {  	_ =	shalt  }
0x7d: {  	_ =	shalt  }
0x7e: {  	_ =	shalt  }
0x7f: {  	_ =	shalt  }
0x80: {  	_ =	shalt  }
0x81: {  	_ =	shalt  }
0x82: {  	_ =	shalt  }
0x83: {  	_ =	shalt  }
0x84: {  	_ =	shalt  }
0x85: {  	_ =	shalt  }
0x86: {  	_ =	shalt  }
0x87: {  	_ =	shalt  }
.Lfunc_end0:
.L_simem_size_0:
called_computation_lowered:
.L_overlay_start_0:
0x88: {  	s2 =	sld [smem:$0x3FD9]  }
0x89: {  	s3 =	sld [smem:$0x3FFE];
	_ =	sdelay $0x1  }
0x8a: {  	s1 =	srdreg.scid  }
0x8b: {  	s0 =	sand.u32 $0x1, s1  }
0x8c: {  	s17 =	sshll.u32 s0, $0xA;
	s2 =	sadd.s32 s3, s2  }
0x8d: {  	s2 =	sadd.s32 s2, s17  }
0x8e: {  	[smem:$0x3FC4] =	sst s2  }
0x8f: {  	_ = 	snop  }
0x90: {  	s2 =	sld [smem:$0x3FC9]  }
0x91: {  	s18 =	sld [smem:$0x3FD0];
	(tm) =	ssettm $0x1  }
0x92: {  	s4 =	sld [smem:$0x3FFB];
	_ =	sdelay $0x3  }
0x93: {  	_ =	strace s4  }
0x94: {  	s4 =	sld [smem:$0x3FFC];
	_ =	sdelay $0x3  }
0x95: {  	_ =	strace s4  }
0x96: {  	s4 =	sld [smem:$0x3FFD];
	_ =	sdelay $0x3  }
0x97: {  	_ =	strace s4  }
0x98: {  	_ =	strace $0x8FFFFFFF  }
0x99: {  	s19 =	sld [smem:$0x3FDB];
	_ =	sdelay $0x1  }
0x9a: {  	s5 =	simm.s32 $_scs_section_size  }
0x9b: {  	s6 =	simm.s32 $_size__tile_overlayer_lowered;
	s7 =	simm.s32 $_tile_overlayer_lowered  }
0x9c: {  	s22 =	simm.s32 $0x1BFF;
	s21 =	sshll.u32 s7, $0x1;
	s4 =	sadd.s32 s5, s19  }
0x9d: {  	s8 =	simm.s32 $0x0;
	s20 =	sshll.u32 s6, $0x1;
	s6 =	sadd.s32 s21, s4  }
0x9e: {  	[timem:s8], [sflag:s22] =	dma.local [hbm:s6], s20  }
0x9f: {  	_ =	swait.ge [sflag:s22], s20  }
0xa0: {  	s5 =	ssub.s32 $0x0, s20;
	[sflag:s22] =	ssyncset.done $0x0  }
0xa1: {  	[sflag:s22] =	ssyncadd.s32 s5;
	_ =	sdelay $0x1  }
0xa2: {  	s23 =	simm.s32 $0x1B8B  }
0xa3: {  	_ =	swait.ge [sflag:s23], $0x1  }
0xa4: {  	[sflag:s23] =	ssyncset.done $0x0  }
0xa5: {  	s25 =	simm.s32 $0x1B8E;
	s24 =	sld [smem:$0x3FFE];
	[sflag:s23] =	ssyncadd.s32 $0xFFFFFFFF  }
0xa6: {  	s26 =	simm.s32 $execute0_lowered;
	[smem:$0x3FD2] =	sst s25  }
0xa7: {  	s6 =	sshll.u32 s26, $0x1;
	_ =	strace $0x80000046;
	[dreg:$0x1] =	wrdreg $0xFFFFFFFF  }
0xa8: {  	s28 =	simm.s32 $_size_execute0_lowered;
	s4 =	sadd.s32 s4, s6;
	[dreg:$0x0] =	wrdreg $0x0  }
0xa9: {  	s6 =	sshll.u32 s28, $0x1;
	[dreg:$0x2] =	wrdreg s4  }
0xaa: {  	[dreg:$0x3] =	wrdreg s6  }
0xab: {  	[dreg:$0x4] =	wrdreg $0xC0  }
0xac: {  	_ =	task [dreg:s8], $0x5FFFF  }
0xad: {  	[dreg:$0x1] =	wrdreg $0xFFFFFFFF  }
0xae: {  	[dreg:$0x0] =	wrdreg $0x60  }
0xaf: {  	[dreg:$0x2] =	wrdreg s24  }
0xb0: {  	[dreg:$0x3] =	wrdreg s2  }
0xb1: {  	[dreg:$0x4] =	wrdreg s18  }
0xb2: {  	[dreg:$0x5] =	wrdreg $0x0  }
0xb3: {  	[dreg:$0x6] =	wrdreg $0x9  }
0xb4: {  	_ =	task.clear_ibuf [dreg:s8], $0x7FFFF;
	_ =	strace $0x90000046  }
0xb5: {  	s29 =	simm.s32 $0x9;
	_ =	strace $0x80000048  }
0xb6: {  	_ =	swait.ge [sflag:s29], $0x1  }
0xb7: {  	[sflag:s29] =	ssyncadd.s32 $0xFFFFFFFF  }
0xb8: {  	_ =	strace $0x90000048  }
0xb9: {  	_ =	sfence  }
0xba: {  	s30 =	sld [smem:$0x0];
	_ =	sdelay $0x2  }
0xbb: {  	s31 =	sshll.u32 s1, $0xD;
	s1 =	sshrl.u32 s1, $0x2  }
0xbc: {  	s3 =	sand.u32 $0x4000, s31;
	s1 =	sadd.s32 s1, s30  }
0xbd: {  	s0 =	sor.u32 s3, s0;
	s1 =	sshll.u32 s1, $0x11  }
0xbe: {  	s0 =	sor.u32 s1, s0  }
0xbf: {  	s0 =	sadd.s32 $0x8F2B, s0  }
0xc0: {  	[sflag:s0] =	ssyncadd.remote.s32 $0x1  }
0xc1: {  	_ =	sfence.sel $0xFFFF  }
0xc2: {  	[dreg:$0x0] =	wrdreg $0xFFFFFFFF;
	(pc) =	sbr.abs _section_cstart, $3  }
0xc3: {  	[dreg:$0x1] =	wrdreg $0xFFFFFFFF  }
0xc4: {  	_ =	task.clear_ibuf [dreg:s8], $0x2FFFF;
	_ =	strace $0x9FFFFFFF  }
0xc5: {  	(tm) =	ssettm $0x7FFFFFFF  }
tec
execute0_lowered:
.L_overlay_start_1:
0x0: {  	(tag) =	ssettag $0x1  }
0x1: {  	s0 =	rddreg [dreg:$0x0]  }
0x2: {  	s3 =	rddreg [dreg:$0x1]  }
0x3: {  	s4 =	rddreg [dreg:$0x2]  }
0x4: {  	s2 =	srdreg.scid;
	s5 =	stileid.u32  }
0x5: {  	s1 =	rddreg [dreg:$0x3];
	s29 =	simm.s32 $0x8FA0;
	s30 =	simm.s32 $0x2  }
0x6: {  	s31 =	simm.s32 $0xCFA0;
	s6 =	sand.u32 $0x1, s2;
	s17 =	smul.u32 $0xC3800, s5  }
0x7: {  	s7 =	sshll.u32 s5, $0x1;
	s2 =	simm.s32 $0x0;
	s25 =	smul.u32 $0x18600, s5  }
0x8: {  	s0 =	sadd.s32 $0xC00, s0;
	s13 =	sadd.s32 $0xB000, s4;
	s19 =	smul.u32 $0x61C00, s6  }
0x9: {  	s7 =	sor.u32 s6, s7;
	s9 =	ssub.s32 $0x2, s6;
	s6 =	smul.u32 $0xC300, s6  }
0xa: {  	p0 =	sne.s32 s5, $0x0;
	p1 =	slt.u32 s5, $0xA;
	s8 =	smul.u32 $0x61C00, s7  }
0xb: {  	p2 =	sgt.u32 s5, $0x9;
	[smem:$0x7FF] =	sst s2;
	s10 =	smul.u32 $0x187, s7  }
0xc: {  	s5 =	simm.s32 $0x4;
	_ =	strace $0x80000047;
	s12 =	smul.u32 $0xC30, s7  }
0xd: {  	s11 =	sshrl.u32 s9, $0x1;
	[dreg:$0x5] =	wrdreg s0;
	s7 =	smul.u32 $0x61800, s7  }
0xe: {  	s28 =	ssub.s32 s9, s11;
	s8 =	sshrl.u32 s8, $0x3;
	s10 =	sadd.s32 s3, s10  }
0xf: {  	s15 =	sadd.s32 $0xA0, s12;
	s7 =	sshrl.u32 s7, $0x3;
	s14 =	sadd.s32 s4, s8  }
0x10: {  	[dreg:$0x6] =	wrdreg s10;
	s16 =	sshrl.u32 s15, $0x3;
	s9 =	sadd.s32 $0xC000, s14  }
0x11: {  	s7 =	sadd.s32 s4, s7;
	s3 =	sadd.s32 s3, s16;
	[dreg:$0x7] =	wrdreg s9  }
0x12: {  	s11 =	simm.s32 $0x0;
	s7 =	sadd.s32 $0xCA00, s7;
	[dreg:$0x8] =	wrdreg s3  }
0x13: {  	s12 =	smax.u32 s28, $0x1;
	s9 =	sshll.u32 s15, $0x4;
	[dreg:$0xc] =	wrdreg s7  }
0x14: {  	s3 =	sadd.s32 s19, s17;
	s7 =	sadd.s32 s25, s4;
	s14 =	sadd.s32 s4, s9  }
0x15: {  	s10 =	sadd.s32 s9, s13;
	s13 =	sadd.s32 s8, s13;
	s21 =	sadd.s32 $0x8000, s3  }
0x16: {  	s23 =	sadd.s32 $0x4000, s3;
	s26 =	sadd.s32 $0xC000, s3;
	s3 =	sshrl.u32 s3, $0x3  }
0x17: {  	s28 =	sadd.s32 s6, s7;
	s8 =	simm.s32 $0x7;
	s9 =	simm.s32 $0x8  }
0x18: {  	s18 =	sadd.s32 $0x800, s14;
	s20 =	sadd.s32 $0x1000, s14;
	[dreg:$0x9] =	wrdreg s14  }
0x19: {  	s22 =	sadd.s32 $0x1800, s14;
	s0 =	sshrl.u32 s21, $0x3;
	[dreg:$0xa] =	wrdreg s18  }
0x1a: {  	s24 =	sshrl.u32 s23, $0x3;
	s3 =	sadd.s32 s3, s4;
	[dreg:$0xb] =	wrdreg s20  }
0x1b: {  	s21 =	simm.s32 $0x320;
	s23 =	simm.s32 $0x80;
	[dreg:$0xd] =	wrdreg s22  }
0x1c: {  	s0 =	sadd.s32 s0, s4;
	[dreg:$0x10] =	wrdreg s3;
	s22 =	simm.s32 $0xA  }
.Ltmp0:
0x1d: {  	[dreg:$0xe] =	wrdreg s0;
	s0 =	sadd.s32 s24, s4;
	(pc) =	sbr.rel .LBB2_1-.Ltmp0, $4  }
0x1e: {  	s20 =	simm.s32 $0x5;
	[dreg:$0xf] =	wrdreg s0;
	s0 =	sshrl.u32 s26, $0x3  }
0x1f: {  	s3 =	simm.s32 $0x6;
	s24 =	simm.s32 $0xFA0;
	s0 =	sadd.s32 s0, s4  }
0x20: {  	s26 =	simm.s32 $0x4FA0;
	[dreg:$0x11] =	wrdreg s0;
	s0 =	sadd.s32 $0x2A00, s28  }
0x21: {  	s4 =	simm.s32 $0x9;
	[dreg:$0x12] =	wrdreg s0;
	s0 =	simm.s32 $0x3  }
.LBB2_11:
0x22: {  	_ =	swait.ge [sflag:s3], $0x4000  }
0x23: {  	[sflag:s3] =	ssyncset.done $0x0  }
0x24: {  	s6 =	simm.s32 $0xF20;
	s7 =	simm.s32 $0x30;
	[sflag:s3] =	ssyncadd.s32 $0xFFFFC000  }
0x25: {  	[tilespmem:s24], [sflag:$0x2] =	stream.indirect.gather [spmem:s1], $0x80, s6, s7, $0xb8;
	[tilespmem:$0x10FA0] =	vst v63  }
0x26: {  	_ =	swait.ge [sflag:s30], $0x1800  }
0x27: {  	[sflag:s30] =	ssyncset.done $0x0  }
0x28: {  	s28 =	rddreg [dreg:$0xc];
	[sflag:s30] =	ssyncadd.s32 $0xFFFFE800  }
0x29: {  	[hbm4b:s28+s2] =	stream.linear.scatter [tilespmem:s24], [sflag:$0x6], $0x1800, $0x38;
	[tilespmem:$0x10FA0] =	vst v63  }
0x2a: {  	_ =	swait.ge [sflag:s8], $0x4000  }
0x2b: {  	[sflag:s8] =	ssyncset.done $0x0  }
0x2c: {  	[sflag:s8] =	ssyncadd.s32 $0xFFFFC000  }
0x2d: {  	_ =	swait.ge [sflag:s9], $0x4000  }
0x2e: {  	[sflag:s9] =	ssyncset.done $0x0  }
0x2f: {  	[sflag:s9] =	ssyncadd.s32 $0xFFFFC000  }
0x30: {  	_ =	swait.ge [sflag:s4], $0x4000  }
0x31: {  	[sflag:s4] =	ssyncset.done $0x0  }
0x32: {  	[sflag:s4] =	ssyncadd.s32 $0xFFFFC000  }
0x33: {  	_ =	swait.ge [sflag:s3], $0x1800  }
0x34: {  	[sflag:s3] =	ssyncset.done $0x0  }
0x35: {  	[sflag:s3] =	ssyncadd.s32 $0xFFFFE800  }
.LBB2_12:
0x36: {  	s11 =	sadd.s32 $0x1, s11  }
0x37: {  	p3 =	sne.s32 s11, s12  }
.Ltmp1:
0x38: {  	_ = 	snop;
	(pc) =	sbr.rel @!p3 .LBB2_13-.Ltmp1, $1  }
0x39: {  	_ =	sdelay $0x3  }
.LBB2_1:
.Ltmp2:
0x3a: {  	(pc) =	sbr.rel @!p0 .LBB2_2-.Ltmp2, $1  }
0x3b: {  	_ =	sdelay $0x3  }
.Ltmp3:
0x3c: {  	(pc) =	sbr.rel @p2 .LBB2_8-.Ltmp3, $4  }
.Ltmp4:
0x3d: {  	(pc) =	sbr.rel @!p2 .LBB2_4-.Ltmp4, $4  }
0x3e: {  	_ = 	snop  }
0x3f: {  	_ = 	snop  }
0x40: {  	_ = 	snop  }
0x41: {  	_ = 	snop  }
.LBB2_2:
0x42: {  	s7 =	sshrl.u32 s1, $0x3;
	s6 =	rddreg [dreg:$0x5];
	s14 =	simm.s32 $0x1C01  }
0x43: {  	[spmem:s7], [sflag:s14] =	dma.local [hbm:s6], $0x640  }
.LBB2_4:
0x44: {  	s6 =	rddreg [dreg:$0x6]  }
0x45: {  	[tilespmem:s21], [sflag:$0xA] =	stream.linear.gather [hbm4b:s6+s2], $0xC38, $0x38;
	[tilespmem:$0x10FA0] =	vst v63  }
0x46: {  	_ =	swait.ge [sflag:s22], $0xC38  }
0x47: {  	[sflag:s22] =	ssyncset.done $0x0  }
0x48: {  	s7 =	simm.s32 @!p0 $0x1;
	[sflag:s22] =	ssyncadd.s32 $0xFFFFF3C8  }
0x49: {  	_ =	swait.ge @!p0 [sflag:s7], $0x640  }
0x4a: {  	[sflag:s7] =	ssyncset.done @!p0 $0x0  }
0x4b: {  	[sflag:s7] =	ssyncadd.s32 @!p0 $0xFFFFF9C0  }
0x4c: {  	[bflag:$0x0] =	sbarrier.arrive $0xFFFF  }
0x4d: {  	[tilespmem:s24], [sflag:$0x2] =	stream.indirect.gather [spmem:s1], $0x80, s21, s23, $0xb8;
	[tilespmem:$0x10FA0] =	vst v63  }
0x4e: {  	s18 =	rddreg [dreg:$0x11]  }
0x4f: {  	s17 =	rddreg [dreg:$0x10]  }
0x50: {  	s25 =	simm.s32 $0x3A0;
	s16 =	rddreg [dreg:$0xf]  }
0x51: {  	[tilespmem:s26], [sflag:$0x3] =	stream.indirect.gather [spmem:s1], $0x80, s25, s23, $0xb8;
	[tilespmem:$0x10FA0] =	vst v63  }
0x52: {  	s28 =	simm.s32 $0x420;
	s14 =	simm.s32 $0x0;
	s25 =	rddreg [dreg:$0xe]  }
0x53: {  	[tilespmem:s29], [sflag:$0x4] =	stream.indirect.gather [spmem:s1], $0x80, s28, s23, $0xb8;
	[tilespmem:$0x10FA0] =	vst v63  }
.LBB2_5:
0x54: {  	_ =	swait.ge [sflag:s30], $0x4000  }
0x55: {  	p3 =	seq.s32 s14, $0x0;
	[sflag:s30] =	ssyncset.done $0x0  }
0x56: {  	s28 =	simm.s32 @!p3 $0x9;
	[sflag:s30] =	ssyncadd.s32 $0xFFFFC000  }
0x57: {  	[hbm4b:s17+s2] =	stream.linear.scatter [tilespmem:s24], [sflag:$0x6], $0x4000, $0x38;
	[tilespmem:$0x10FA0] =	vst v63  }
0x58: {  	_ =	swait.ge @!p3 [sflag:s28], $0x4000  }
0x59: {  	s7 =	sshra.s32 s14, $0x2;
	[sflag:s28] =	ssyncset.done @!p3 $0x0  }
0x5a: {  	s19 =	sadd.s32 $0x4A0, s7;
	[sflag:s28] =	ssyncadd.s32 @!p3 $0xFFFFC000  }
0x5b: {  	[tilespmem:s31], [sflag:$0x5] =	stream.indirect.gather [spmem:s1], $0x80, s19, s23, $0xb8;
	[tilespmem:$0x10FA0] =	vst v63  }
0x5c: {  	_ =	swait.ge [sflag:s0], $0x4000  }
0x5d: {  	p3 =	seq.s32 s14, $0x2800;
	[sflag:s0] =	ssyncset.done $0x0  }
0x5e: {  	s28 =	simm.s32 @p3 $0x4;
	[sflag:s0] =	ssyncadd.s32 $0xFFFFC000  }
0x5f: {  	[hbm4b:s16+s2] =	stream.linear.scatter [tilespmem:s26], [sflag:$0x7], $0x4000, $0x38;
	[tilespmem:$0x10FA0] =	vst v63  }
0x60: {  	_ =	swait.ge @p3 [sflag:s28], $0x4000  }
0x61: {  	[sflag:s28] =	ssyncset.done @p3 $0x0  }
0x62: {  	s15 =	simm.s32 @p3 $0x8FA0;
	[sflag:s28] =	ssyncadd.s32 @p3 $0xFFFFC000;
	s28 =	simm.s32 @p3 $0x0  }
0x63: {  	[hbm4b:s13+s28] =	stream.linear.scatter @p3 [tilespmem:s15], [sflag:$0x8], $0x4000, $0x38;
	[tilespmem:$0x10FA0] =	vst v63  }
0x64: {  	s15 =	simm.s32 @!p3 $0x6  }
0x65: {  	_ =	swait.ge @!p3 [sflag:s15], $0x4000  }
0x66: {  	[sflag:s15] =	ssyncset.done @!p3 $0x0  }
0x67: {  	[sflag:s15] =	ssyncadd.s32 @!p3 $0xFFFFC000;
	s15 =	sshra.s32 @!p3 s14, $0x2  }
0x68: {  	s19 =	simm.s32 @!p3 $0x80;
	s6 =	simm.s32 @!p3 $0xFA0;
	s28 =	sadd.s32 @!p3 $0x520, s15  }
0x69: {  	[tilespmem:s6], [sflag:$0x2] =	stream.indirect.gather @!p3 [spmem:s1], $0x80, s28, s19, $0xb8;
	[tilespmem:$0x10FA0] =	vst v63  }
0x6a: {  	s6 =	simm.s32 @!p3 $0x4  }
0x6b: {  	_ =	swait.ge @!p3 [sflag:s6], $0x4000  }
0x6c: {  	[sflag:s6] =	ssyncset.done @!p3 $0x0  }
0x6d: {  	s28 =	simm.s32 @!p3 $0x8FA0;
	[sflag:s6] =	ssyncadd.s32 @!p3 $0xFFFFC000;
	s6 =	simm.s32 @!p3 $0x0  }
0x6e: {  	[hbm4b:s25+s6] =	stream.linear.scatter @!p3 [tilespmem:s28], [sflag:$0x8], $0x4000, $0x38;
	[tilespmem:$0x10FA0] =	vst v63  }
0x6f: {  	s6 =	simm.s32 @!p3 $0x7  }
0x70: {  	_ =	swait.ge @!p3 [sflag:s6], $0x4000  }
0x71: {  	[sflag:s6] =	ssyncset.done @!p3 $0x0  }
0x72: {  	[sflag:s6] =	ssyncadd.s32 @!p3 $0xFFFFC000;
	s6 =	sadd.s32 @!p3 $0x5A0, s15;
	s15 =	simm.s32 @!p3 $0x4FA0  }
0x73: {  	[tilespmem:s15], [sflag:$0x3] =	stream.indirect.gather @!p3 [spmem:s1], $0x80, s6, s19, $0xb8;
	[tilespmem:$0x10FA0] =	vst v63  }
.Ltmp5:
0x74: {  	_ = 	snop;
	(pc) =	sbr.rel @p3 .LBB2_7-.Ltmp5, $4  }
0x75: {  	_ =	swait.ge [sflag:s20], $0x4000  }
0x76: {  	[sflag:s20] =	ssyncset.done $0x0  }
0x77: {  	[sflag:s20] =	ssyncadd.s32 $0xFFFFC000  }
0x78: {  	[hbm4b:s18+s2] =	stream.linear.scatter [tilespmem:s31], [sflag:$0x9], $0x4000, $0x38;
	[tilespmem:$0x10FA0] =	vst v63  }
.Ltmp6:
0x79: {  	(pc) =	sbr.rel .LBB2_5-.Ltmp6, $4  }
0x7a: {  	_ =	swait.ge [sflag:s9], $0x4000;
	s6 =	sadd.s32 $0x620, s7;
	s14 =	sadd.s32 $0x800, s14  }
0x7b: {  	s25 =	sadd.s32 $0x2000, s25;
	s16 =	sadd.s32 $0x2000, s16;
	[sflag:s9] =	ssyncset.done $0x0  }
0x7c: {  	s17 =	sadd.s32 $0x2000, s17;
	s18 =	sadd.s32 $0x2000, s18;
	[sflag:s9] =	ssyncadd.s32 $0xFFFFC000  }
0x7d: {  	[tilespmem:s29], [sflag:$0x4] =	stream.indirect.gather [spmem:s1], $0x80, s6, s23, $0xb8;
	[tilespmem:$0x10FA0] =	vst v63  }
.LBB2_7:
0x7e: {  	_ =	swait.ge [sflag:s3], $0x4000  }
0x7f: {  	[sflag:s3] =	ssyncset.done $0x0  }
0x80: {  	s6 =	simm.s32 $0x38;
	s7 =	simm.s32 $0xF20;
	[sflag:s3] =	ssyncadd.s32 $0xFFFFC000  }
0x81: {  	[tilespmem:s24], [sflag:$0x2] =	stream.indirect.gather [spmem:s1], $0x80, s7, s6, $0xb8;
	[tilespmem:$0x10FA0] =	vst v63  }
0x82: {  	_ =	swait.ge [sflag:s30], $0x1C00  }
0x83: {  	[sflag:s30] =	ssyncset.done $0x0  }
0x84: {  	s28 =	rddreg [dreg:$0x7];
	[sflag:s30] =	ssyncadd.s32 $0xFFFFE400  }
0x85: {  	[hbm4b:s28+s2] =	stream.linear.scatter [tilespmem:s24], [sflag:$0x6], $0x1C00, $0x38;
	[tilespmem:$0x10FA0] =	vst v63  }
0x86: {  	_ =	swait.ge [sflag:s8], $0x4000  }
0x87: {  	[sflag:s8] =	ssyncset.done $0x0  }
0x88: {  	[sflag:s8] =	ssyncadd.s32 $0xFFFFC000  }
0x89: {  	_ =	swait.ge [sflag:s9], $0x4000  }
0x8a: {  	[sflag:s9] =	ssyncset.done $0x0  }
0x8b: {  	[sflag:s9] =	ssyncadd.s32 $0xFFFFC000  }
0x8c: {  	_ =	swait.ge [sflag:s4], $0x4000  }
.Ltmp7:
0x8d: {  	[sflag:s4] =	ssyncset.done $0x0;
	(pc) =	sbr.rel @p1 .LBB2_12-.Ltmp7, $4  }
0x8e: {  	[sflag:s4] =	ssyncadd.s32 $0xFFFFC000  }
0x8f: {  	_ =	swait.ge [sflag:s3], $0x1C00  }
0x90: {  	[sflag:s3] =	ssyncset.done $0x0  }
0x91: {  	[sflag:s3] =	ssyncadd.s32 $0xFFFFE400  }
.LBB2_8:
0x92: {  	s14 =	simm.s32 $0x0;
	s6 =	rddreg [dreg:$0x8]  }
0x93: {  	[tilespmem:s21], [sflag:$0xA] =	stream.linear.gather [hbm4b:s6+s14], $0xC30, $0x38;
	[tilespmem:$0x10FA0] =	vst v63  }
0x94: {  	_ =	swait.ge [sflag:s22], $0xC30  }
0x95: {  	[sflag:s22] =	ssyncset.done $0x0  }
0x96: {  	[sflag:s22] =	ssyncadd.s32 $0xFFFFF3D0  }
0x97: {  	[bflag:$0x0] =	sbarrier.arrive $0xFFFF  }
0x98: {  	[tilespmem:s24], [sflag:$0x2] =	stream.indirect.gather [spmem:s1], $0x80, s21, s23, $0xb8;
	[tilespmem:$0x10FA0] =	vst v63  }
0x99: {  	s25 =	simm.s32 $0x3A0  }
0x9a: {  	[tilespmem:s26], [sflag:$0x3] =	stream.indirect.gather [spmem:s1], $0x80, s25, s23, $0xb8;
	[tilespmem:$0x10FA0] =	vst v63  }
0x9b: {  	s28 =	simm.s32 $0x420  }
0x9c: {  	[tilespmem:s29], [sflag:$0x4] =	stream.indirect.gather [spmem:s1], $0x80, s28, s23, $0xb8;
	[tilespmem:$0x10FA0] =	vst v63  }
0x9d: {  	_ =	swait.ge [sflag:s30], $0x4000  }
0x9e: {  	[sflag:s30] =	ssyncset.done $0x0  }
0x9f: {  	s7 =	rddreg [dreg:$0x9];
	[sflag:s30] =	ssyncadd.s32 $0xFFFFC000  }
0xa0: {  	[hbm4b:s7+s14] =	stream.linear.scatter [tilespmem:s24], [sflag:$0x6], $0x4000, $0x38;
	[tilespmem:$0x10FA0] =	vst v63  }
0xa1: {  	s15 =	simm.s32 $0x4A0  }
0xa2: {  	[tilespmem:s31], [sflag:$0x5] =	stream.indirect.gather [spmem:s1], $0x80, s15, s23, $0xb8;
	[tilespmem:$0x10FA0] =	vst v63  }
0xa3: {  	_ =	swait.ge [sflag:s0], $0x4000  }
0xa4: {  	[sflag:s0] =	ssyncset.done $0x0  }
0xa5: {  	s16 =	rddreg [dreg:$0xa];
	[sflag:s0] =	ssyncadd.s32 $0xFFFFC000  }
0xa6: {  	[hbm4b:s16+s14] =	stream.linear.scatter [tilespmem:s26], [sflag:$0x7], $0x4000, $0x38;
	[tilespmem:$0x10FA0] =	vst v63  }
0xa7: {  	_ =	swait.ge [sflag:s3], $0x4000  }
0xa8: {  	[sflag:s3] =	ssyncset.done $0x0  }
0xa9: {  	s17 =	simm.s32 $0x520;
	[sflag:s3] =	ssyncadd.s32 $0xFFFFC000  }
0xaa: {  	[tilespmem:s24], [sflag:$0x2] =	stream.indirect.gather [spmem:s1], $0x80, s17, s23, $0xb8;
	[tilespmem:$0x10FA0] =	vst v63  }
0xab: {  	_ =	swait.ge [sflag:s5], $0x4000  }
0xac: {  	[sflag:s5] =	ssyncset.done $0x0  }
0xad: {  	s18 =	rddreg [dreg:$0xb];
	[sflag:s5] =	ssyncadd.s32 $0xFFFFC000  }
0xae: {  	[hbm4b:s18+s14] =	stream.linear.scatter [tilespmem:s29], [sflag:$0x8], $0x4000, $0x38;
	[tilespmem:$0x10FA0] =	vst v63  }
0xaf: {  	_ =	swait.ge [sflag:s8], $0x4000  }
0xb0: {  	[sflag:s8] =	ssyncset.done $0x0  }
0xb1: {  	s19 =	simm.s32 $0x5A0;
	[sflag:s8] =	ssyncadd.s32 $0xFFFFC000  }
0xb2: {  	[tilespmem:s26], [sflag:$0x3] =	stream.indirect.gather [spmem:s1], $0x80, s19, s23, $0xb8;
	[tilespmem:$0x10FA0] =	vst v63  }
0xb3: {  	_ =	swait.ge [sflag:s20], $0x4000  }
0xb4: {  	[sflag:s20] =	ssyncset.done $0x0  }
0xb5: {  	s25 =	rddreg [dreg:$0xd];
	[sflag:s20] =	ssyncadd.s32 $0xFFFFC000  }
0xb6: {  	[hbm4b:s25+s14] =	stream.linear.scatter [tilespmem:s31], [sflag:$0x9], $0x4000, $0x38;
	[tilespmem:$0x10FA0] =	vst v63  }
0xb7: {  	_ =	swait.ge [sflag:s9], $0x4000  }
0xb8: {  	[sflag:s9] =	ssyncset.done $0x0  }
0xb9: {  	s28 =	simm.s32 $0x620;
	s16 =	rddreg [dreg:$0x12];
	[sflag:s9] =	ssyncadd.s32 $0xFFFFC000  }
0xba: {  	[tilespmem:s29], [sflag:$0x4] =	stream.indirect.gather [spmem:s1], $0x80, s28, s23, $0xb8;
	[tilespmem:$0x10FA0] =	vst v63  }
.LBB2_9:
0xbb: {  	_ =	swait.ge [sflag:s30], $0x4000  }
0xbc: {  	[sflag:s30] =	ssyncset.done $0x0  }
0xbd: {  	[sflag:s30] =	ssyncadd.s32 $0xFFFFC000  }
0xbe: {  	[hbm4b:s16+s2] =	stream.linear.scatter [tilespmem:s24], [sflag:$0x6], $0x4000, $0x38;
	[tilespmem:$0x10FA0] =	vst v63  }
0xbf: {  	_ =	swait.ge [sflag:s4], $0x4000  }
0xc0: {  	s17 =	sshra.s32 s14, $0x2;
	[sflag:s4] =	ssyncset.done $0x0  }
0xc1: {  	s6 =	sadd.s32 $0x6A0, s17;
	[sflag:s4] =	ssyncadd.s32 $0xFFFFC000  }
0xc2: {  	[tilespmem:s31], [sflag:$0x5] =	stream.indirect.gather [spmem:s1], $0x80, s6, s23, $0xb8;
	[tilespmem:$0x10FA0] =	vst v63  }
0xc3: {  	_ =	swait.ge [sflag:s0], $0x4000  }
0xc4: {  	p3 =	seq.s32 s14, $0x2000;
	[sflag:s0] =	ssyncset.done $0x0  }
0xc5: {  	s25 =	sadd.s32 $0x800, s16;
	s6 =	simm.s32 @p3 $0x4;
	[sflag:s0] =	ssyncadd.s32 $0xFFFFC000  }
0xc6: {  	[hbm4b:s25+s2] =	stream.linear.scatter [tilespmem:s26], [sflag:$0x7], $0x4000, $0x38;
	[tilespmem:$0x10FA0] =	vst v63  }
0xc7: {  	_ =	swait.ge @p3 [sflag:s6], $0x4000  }
0xc8: {  	[sflag:s6] =	ssyncset.done @p3 $0x0  }
0xc9: {  	s7 =	simm.s32 @p3 $0x8FA0;
	[sflag:s6] =	ssyncadd.s32 @p3 $0xFFFFC000;
	s6 =	simm.s32 @p3 $0x0  }
0xca: {  	[hbm4b:s10+s6] =	stream.linear.scatter @p3 [tilespmem:s7], [sflag:$0x8], $0x4000, $0x38;
	[tilespmem:$0x10FA0] =	vst v63  }
0xcb: {  	s6 =	simm.s32 @!p3 $0x6  }
0xcc: {  	_ =	swait.ge @!p3 [sflag:s6], $0x4000  }
0xcd: {  	[sflag:s6] =	ssyncset.done @!p3 $0x0  }
0xce: {  	[sflag:s6] =	ssyncadd.s32 @!p3 $0xFFFFC000;
	s6 =	sshra.s32 @!p3 s14, $0x2  }
0xcf: {  	s15 =	simm.s32 @!p3 $0x80;
	s18 =	simm.s32 @!p3 $0xFA0;
	s7 =	sadd.s32 @!p3 $0x720, s6  }
0xd0: {  	[tilespmem:s18], [sflag:$0x2] =	stream.indirect.gather @!p3 [spmem:s1], $0x80, s7, s15, $0xb8;
	[tilespmem:$0x10FA0] =	vst v63  }
0xd1: {  	s7 =	simm.s32 @!p3 $0x4  }
0xd2: {  	_ =	swait.ge @!p3 [sflag:s7], $0x4000  }
0xd3: {  	s19 =	simm.s32 @!p3 $0x8FA0;
	[sflag:s7] =	ssyncset.done @!p3 $0x0  }
0xd4: {  	s18 =	simm.s32 @!p3 $0x0;
	[sflag:s7] =	ssyncadd.s32 @!p3 $0xFFFFC000;
	s7 =	sadd.s32 @!p3 $0x1000, s16  }
0xd5: {  	[hbm4b:s7+s18] =	stream.linear.scatter @!p3 [tilespmem:s19], [sflag:$0x8], $0x4000, $0x38;
	[tilespmem:$0x10FA0] =	vst v63  }
0xd6: {  	s7 =	simm.s32 @!p3 $0x7  }
0xd7: {  	_ =	swait.ge @!p3 [sflag:s7], $0x4000  }
0xd8: {  	[sflag:s7] =	ssyncset.done @!p3 $0x0  }
0xd9: {  	s6 =	sadd.s32 @!p3 $0x7A0, s6;
	[sflag:s7] =	ssyncadd.s32 @!p3 $0xFFFFC000;
	s7 =	simm.s32 @!p3 $0x4FA0  }
0xda: {  	[tilespmem:s7], [sflag:$0x3] =	stream.indirect.gather @!p3 [spmem:s1], $0x80, s6, s15, $0xb8;
	[tilespmem:$0x10FA0] =	vst v63  }
.Ltmp8:
0xdb: {  	_ = 	snop;
	(pc) =	sbr.rel @p3 .LBB2_11-.Ltmp8, $4  }
0xdc: {  	_ =	swait.ge [sflag:s20], $0x4000  }
0xdd: {  	[sflag:s20] =	ssyncset.done $0x0  }
0xde: {  	s28 =	sadd.s32 $0x1800, s16;
	[sflag:s20] =	ssyncadd.s32 $0xFFFFC000  }
0xdf: {  	[hbm4b:s28+s2] =	stream.linear.scatter [tilespmem:s31], [sflag:$0x9], $0x4000, $0x38;
	[tilespmem:$0x10FA0] =	vst v63  }
.Ltmp9:
0xe0: {  	(pc) =	sbr.rel .LBB2_9-.Ltmp9, $4  }
0xe1: {  	_ =	swait.ge [sflag:s9], $0x4000  }
0xe2: {  	s6 =	sadd.s32 $0x820, s17;
	[sflag:s9] =	ssyncset.done $0x0  }
0xe3: {  	s14 =	sadd.s32 $0x800, s14;
	s16 =	sadd.s32 $0x2000, s16;
	[sflag:s9] =	ssyncadd.s32 $0xFFFFC000  }
0xe4: {  	[tilespmem:s29], [sflag:$0x4] =	stream.indirect.gather [spmem:s1], $0x80, s6, s23, $0xb8;
	[tilespmem:$0x10FA0] =	vst v63  }
.LBB2_13:
0xe5: {  	_ =	sfence.sel $0x180000  }
0xe6: {  	[bflag:$0x0] =	sbarrier.arrive $0xFFFF  }
0xe7: {  	_ =	strace $0x90000047  }
0xe8: {  	[bflag:$0x2] =	sbarrier.arrive $0xFFFF  }
0xe9: {  	s0 =	rddreg [dreg:$0x4]  }
0xea: {  	s0 =	sadd.s32 @!p0 $0x100000, s0  }
0xeb: {  	[sflag:s0] =	ssyncadd.tile.s32 @!p0 $0x1;
	_ =	shalt  }
.Lfunc_end2:
_tile_overlayer_lowered:
.L_overlay_start_2:
0xec: {  	(tag) =	ssettag $0x2  }
0xed: {  	s0 =	rddreg [dreg:$0x0];
	s2 =	stileid.u32  }
0xee: {  	s1 =	rddreg [dreg:$0x1];
	p0 =	sne.s32 s2, $0x0  }
0xef: {  	s3 =	rddreg [dreg:$0x2];
	[bflag:$0x3] =	sbarrier.arrive $0xFFFF;
	s2 =	simm.s32 @!p0 $0x1C0A  }
0xf0: {  	[timem:s3], [sflag:s2] =	dma.local @!p0 [hbm:s0], s1  }
0xf1: {  	s0 =	simm.s32 @!p0 $0xA  }
0xf2: {  	_ =	swait.ge @!p0 [sflag:s0], s1  }
0xf3: {  	s1 =	ssub.s32 @!p0 $0x0, s1;
	[sflag:s0] =	ssyncset.done @!p0 $0x0  }
0xf4: {  	[sflag:s0] =	ssyncadd.s32 @!p0 s1  }
0xf5: {  	[bflag:$0x3] =	sbarrier.arrive $0xFFFF  }
0xf6: {  	_ =	shalt  }

</sc_bundles>
